<compile_context>
chip_gen: v7x
topology: tpu7x:2x2x1
jax: 0.10.2.dev20260603
libtpu: 0.0.44.dev20260713+nightly
codegen_flags: <defaults>
</compile_context>

<pallas_src>
import functools

import jax
import jax.numpy as jnp
from jax import lax
from jax.experimental import pallas as pl
from jax.experimental.pallas import tpu as pltpu
from jax.experimental.pallas import tpu_sc as plsc

_K = 512
_ZQ = 2.1538746940
_DELTA = 0.35
_SAMPLE = 4096
_NEG_INF_CODE = -2139095041
_POS_INF_CODE = 2139095040


def _count_ge(x, fthresh, nsplit):
    cols = x.shape[1]
    w = cols // nsplit
    parts = [
        jnp.sum((x[:, i * w:(i + 1) * w] >= fthresh).astype(jnp.int32),
                axis=1, keepdims=True)
        for i in range(nsplit)
    ]
    tot = parts[0]
    for p in parts[1:]:
        tot = tot + p
    return tot


def _to_code(f):
    b = f.view(jnp.int32)
    return jnp.where(b < 0, b ^ jnp.int32(0x7FFFFFFF), b)


def _from_code(c):
    b = jnp.where(c < 0, c ^ jnp.int32(0x7FFFFFFF), c)
    return b.view(jnp.float32)


def _topk_mask_kernel(x_ref, o_ref, *, k, nsplit):
    x = x_ref[:, :]
    cols = x.shape[1]

    xs = x[:, :_SAMPLE]
    mu = jnp.sum(xs, axis=1, keepdims=True) * jnp.float32(1.0 / _SAMPLE)
    ex2 = jnp.sum(xs * xs, axis=1, keepdims=True) * jnp.float32(1.0 / _SAMPLE)
    sd = jnp.sqrt(jnp.maximum(ex2 - mu * mu, jnp.float32(0.0)))
    t_est = mu + jnp.float32(_ZQ) * sd

    f_lo = t_est - jnp.float32(_DELTA)
    f_hi = t_est + jnp.float32(_DELTA)
    c_lo = _count_ge(x, f_lo, nsplit)
    c_hi = _count_ge(x, f_hi, nsplit)
    ok = jnp.logical_and(c_lo >= k, c_hi < k)
    lo = jnp.where(ok, _to_code(f_lo), jnp.int32(_NEG_INF_CODE))
    hi = jnp.where(ok, _to_code(f_hi), jnp.int32(_POS_INF_CODE))
    c_lo = jnp.where(ok, c_lo, jnp.int32(cols))
    c_hi = jnp.where(ok, c_hi, jnp.int32(0))

    def probe_at(lo, hi, c_lo, c_hi, code):
        code = jnp.clip(code, lo + jnp.int32(1), hi - jnp.int32(1))
        cnt = _count_ge(x, _from_code(code), nsplit)
        acc = cnt >= k
        return (jnp.where(acc, code, lo), jnp.where(acc, hi, code),
                jnp.where(acc, cnt, c_lo), jnp.where(acc, c_hi, cnt))

    def secant_code(lo, hi, c_lo, c_hi):
        frac = ((c_lo - k).astype(jnp.float32)
                / jnp.maximum((c_lo - c_hi).astype(jnp.float32),
                              jnp.float32(1.0)))
        return lo + (frac * (hi - lo).astype(jnp.float32)).astype(jnp.int32)

    def cond(carry):
        _, lo, hi, c_lo, _ = carry
        active = jnp.logical_and(c_lo > k, hi - jnp.int32(1) > lo)
        return jnp.max(active.astype(jnp.int32)) > 0

    def body(carry):
        i, lo, hi, c_lo, c_hi = carry
        lo, hi, c_lo, c_hi = probe_at(lo, hi, c_lo, c_hi,
                                      secant_code(lo, hi, c_lo, c_hi))
        mid = (lo >> 1) + (hi >> 1) + (lo & hi & jnp.int32(1))
        code2 = jnp.where(jnp.bitwise_and(i, jnp.int32(1)) > 0, mid,
                          secant_code(lo, hi, c_lo, c_hi))
        lo, hi, c_lo, c_hi = probe_at(lo, hi, c_lo, c_hi, code2)
        return (i + jnp.int32(1), lo, hi, c_lo, c_hi)

    _, lo, _, _, _ = jax.lax.while_loop(
        cond, body, (jnp.int32(0), lo, hi, c_lo, c_hi))

    f_eff = _from_code(jnp.maximum(lo, jnp.int32(1)))
    o_ref[:, :] = jnp.where(x >= f_eff, x, jnp.float32(0.0))



_SC_ROWS = 32
_SC_UNROLL = 8


def _sc_count_ge(row_v, f, cols):
    chunks = cols // (16 * _SC_UNROLL)

    def body(i, accs):
        base = i * (16 * _SC_UNROLL)
        new = []
        for j in range(_SC_UNROLL):
            v = row_v[pl.ds(base + j * 16, 16)]
            new.append(accs[j] + jnp.where(v >= f, 1, 0).astype(jnp.int32))
        return tuple(new)

    accs = lax.fori_loop(
        0, chunks, body,
        tuple(jnp.zeros((16,), jnp.int32) for _ in range(_SC_UNROLL)))
    tot = accs[0]
    for a in accs[1:]:
        tot = tot + a
    return jnp.sum(tot)


def _sc_from_code(c):
    b = jnp.where(c < 0, c ^ jnp.int32(0x7FFFFFFF), c)
    return lax.bitcast_convert_type(b, jnp.float32)


def _sc_to_code(f):
    b = lax.bitcast_convert_type(f, jnp.int32)
    return jnp.where(b < 0, b ^ jnp.int32(0x7FFFFFFF), b)


def _sc_body(x_hbm, o_hbm, row_v, out_v):
    k = _K
    cols = x_hbm.shape[1]
    row0 = x_hbm.shape[0] - _SC_ROWS
    wid = lax.axis_index("s") * 2 + lax.axis_index("c")
    pltpu.sync_copy(x_hbm.at[row0 + wid], row_v)

    def stats_body(i, carry):
        s, q = carry
        v = row_v[pl.ds(i * 16, 16)]
        return s + v, q + v * v

    s, q = lax.fori_loop(0, _SAMPLE // 16, stats_body,
                         (jnp.zeros((16,), jnp.float32),
                          jnp.zeros((16,), jnp.float32)))
    mu = jnp.sum(s) * jnp.float32(1.0 / _SAMPLE)
    var = jnp.maximum(jnp.sum(q) * jnp.float32(1.0 / _SAMPLE) - mu * mu,
                      jnp.float32(1e-30))
    yb = jnp.int32(0x5F3759DF) - (lax.bitcast_convert_type(var, jnp.int32) >> 1)
    y = lax.bitcast_convert_type(yb, jnp.float32)
    for _ in range(3):
        y = y * (jnp.float32(1.5) - jnp.float32(0.5) * var * y * y)
    t_est = mu + jnp.float32(_ZQ) * (var * y)

    f_lo = t_est - jnp.float32(_DELTA)
    f_hi = t_est + jnp.float32(_DELTA)
    c_lo = _sc_count_ge(row_v, f_lo, cols)
    c_hi = _sc_count_ge(row_v, f_hi, cols)
    ok = jnp.logical_and(c_lo >= k, c_hi < k)
    lo = jnp.where(ok, _sc_to_code(f_lo), jnp.int32(_NEG_INF_CODE))
    hi = jnp.where(ok, _sc_to_code(f_hi), jnp.int32(_POS_INF_CODE))
    c_lo = jnp.where(ok, c_lo, jnp.int32(cols))
    c_hi = jnp.where(ok, c_hi, jnp.int32(0))

    def probe_at(lo, hi, c_lo, c_hi, code):
        code = jnp.clip(code, lo + jnp.int32(1), hi - jnp.int32(1))
        cnt = _sc_count_ge(row_v, _sc_from_code(code), cols)
        acc = cnt >= k
        return (jnp.where(acc, code, lo), jnp.where(acc, hi, code),
                jnp.where(acc, cnt, c_lo), jnp.where(acc, c_hi, cnt))

    def secant_code(lo, hi, c_lo, c_hi):
        d = jnp.maximum((c_lo - c_hi).astype(jnp.float32), jnp.float32(1.0))
        rb = jnp.int32(0x7EF311C3) - lax.bitcast_convert_type(d, jnp.int32)
        r = lax.bitcast_convert_type(rb, jnp.float32)
        for _ in range(3):
            r = r * (jnp.float32(2.0) - d * r)
        frac = (c_lo - k).astype(jnp.float32) * r
        return lo + (frac * (hi - lo).astype(jnp.float32)).astype(jnp.int32)

    def cond(carry):
        _, lo, hi, c_lo, _ = carry
        return jnp.logical_and(c_lo > k, hi - jnp.int32(1) > lo)

    def body(carry):
        i, lo, hi, c_lo, c_hi = carry
        lo, hi, c_lo, c_hi = probe_at(lo, hi, c_lo, c_hi,
                                      secant_code(lo, hi, c_lo, c_hi))
        mid = (lo >> 1) + (hi >> 1) + (lo & hi & jnp.int32(1))
        code2 = jnp.where(jnp.bitwise_and(i, jnp.int32(1)) > 0, mid,
                          secant_code(lo, hi, c_lo, c_hi))
        lo, hi, c_lo, c_hi = probe_at(lo, hi, c_lo, c_hi, code2)
        return (i + jnp.int32(1), lo, hi, c_lo, c_hi)

    _, lo, _, _, _ = lax.while_loop(
        cond, body, (jnp.int32(0), lo, hi, c_lo, c_hi))

    f_eff = _sc_from_code(jnp.maximum(lo, jnp.int32(1)))

    def mask_body(i, _):
        base = i * (16 * _SC_UNROLL)
        for j in range(_SC_UNROLL):
            v = row_v[pl.ds(base + j * 16, 16)]
            out_v[pl.ds(base + j * 16, 16)] = jnp.where(
                v >= f_eff, v, jnp.float32(0.0))
        return 0

    lax.fori_loop(0, cols // (16 * _SC_UNROLL), mask_body, 0)
    pltpu.sync_copy(out_v, o_hbm.at[wid])


def _sc_topk(x):
    cols = x.shape[1]
    mesh = plsc.VectorSubcoreMesh(core_axis_name="c", subcore_axis_name="s")
    return pl.kernel(
        _sc_body,
        out_type=jax.ShapeDtypeStruct((_SC_ROWS, cols), jnp.float32),
        mesh=mesh,
        scratch_types=[
            pltpu.VMEM((cols,), jnp.float32),
            pltpu.VMEM((cols,), jnp.float32),
        ],
        compiler_params=pltpu.CompilerParams(needs_layout_passes=False),
    )(x)


def _tc_topk(x, rows_tc):
    cols = x.shape[1]
    block_rows = 32
    return pl.pallas_call(
        functools.partial(_topk_mask_kernel, k=_K, nsplit=8),
        grid=(rows_tc // block_rows,),
        in_specs=[pl.BlockSpec((block_rows, cols), lambda i: (i, 0))],
        out_specs=pl.BlockSpec((block_rows, cols), lambda i: (i, 0)),
        out_shape=jax.ShapeDtypeStruct((rows_tc, cols), x.dtype),
    )(x)


def kernel(x):
    rows, cols = x.shape
    rows_tc = rows - _SC_ROWS
    out_sc = _sc_topk(x)
    out_tc = _tc_topk(x, rows_tc)
    return jnp.concatenate([out_tc, out_sc], axis=0)

# --- scband reference (transcript-rebuilt; emitter-appended) ---
"""Pipeline reference for scband-top-kactivation-18348100288731 (READ-ONLY COPY).

The authoritative reference and input builder live on the scoring server;
editing this copy changes nothing except your own understanding.
"""

import jax, jax.numpy as jnp
import numpy as np

K = 512

def setup_inputs(seed: int = 0) -> dict:
    key = jax.random.key(seed)
    x = jax.random.normal(key, (128, 32768), dtype=jnp.float32)
    return {"x": x}

def reference(x):
    # torch.topk(x, k, dim=-1)
    vals, idx = jax.lax.top_k(x, K)
    # postact_fn = ReLU
    vals = jax.nn.relu(vals)
    # result = zeros_like(x); result.scatter_(-1, idx, vals)
    rows = jnp.arange(x.shape[0])[:, None]
    result = jnp.zeros_like(x).at[rows, idx].set(vals)
    return result

if __name__ == "__main__":
    import jax
    _d = setup_inputs()
    print(jax.jit(kernel)(*tuple(_d.values())))

</pallas_src>

<mosaic_0001>
#map = affine_map<(d0, d1) -> (0, 0)>
module attributes {stable_mosaic.version = 14 : i64} {
  func.func @_sc_body(%arg0: i32, %arg1: i32, %arg2: memref<128x32768xf32, #tpu.memory_space<hbm>>, %arg3: memref<32x32768xf32, #tpu.memory_space<hbm>>, %arg4: memref<32768xf32, #tpu.memory_space<vmem>>, %arg5: memref<32768xf32, #tpu.memory_space<vmem>>) attributes {dimension_semantics = [#tpu.dimension_semantics<core_parallel>, #tpu.dimension_semantics<subcore_parallel>], iteration_bounds = array<i64: 2, 16>, scalar_prefetch = 0 : i64, scratch_operands = 2 : i64, tpu.core_type = #tpu.core_type<sc_vector_subcore>, window_params = [{transform_indices = #map}, {transform_indices = #map}]} {
    %mul3A = arith.constant 2 : i32
    %mul3A_0 = arith.muli %arg1, %mul3A : i32
    %add3A = arith.addi %mul3A_0, %arg0 : i32
    %add3A_1 = arith.constant 96 : i32
    %add3A_2 = arith.addi %add3A_1, %add3A : i32
    "tpu.region"() ({
      %run_scoped3A = tpu.sem_alloc : memref<!tpu.dma_semaphore, #tpu.memory_space<semaphore_mem>>
      %dma_start3A = arith.constant 0 : i32
      %dma_start3A_158 = tpu.memref_slice %arg2[%add3A_2, %dma_start3A] : memref<128x32768xf32, #tpu.memory_space<hbm>> -> memref<1x32768xf32, #tpu.memory_space<hbm>>
      %dma_start3A_159 = tpu.memref_squeeze %dma_start3A_158 : memref<1x32768xf32, #tpu.memory_space<hbm>> -> memref<32768xf32, #tpu.memory_space<hbm>>
      %dma_start3A_160 = arith.constant 0 : i32
      %dma_start3A_161 = tpu.memref_slice %arg2[%add3A_2, %dma_start3A_160] : memref<128x32768xf32, #tpu.memory_space<hbm>> -> memref<1x32768xf32, #tpu.memory_space<hbm>>
      %dma_start3A_162 = tpu.memref_squeeze %dma_start3A_161 : memref<1x32768xf32, #tpu.memory_space<hbm>> -> memref<32768xf32, #tpu.memory_space<hbm>>
      tpu.enqueue_dma source(%dma_start3A_162 : memref<32768xf32, #tpu.memory_space<hbm>>) target(%arg4 : memref<32768xf32, #tpu.memory_space<vmem>>) target_semaphore(%run_scoped3A : memref<!tpu.dma_semaphore, #tpu.memory_space<semaphore_mem>>)
      %dma_wait3A = arith.constant 0 : i32
      %dma_wait3A_163 = tpu.memref_slice %arg2[%add3A_2, %dma_wait3A] : memref<128x32768xf32, #tpu.memory_space<hbm>> -> memref<1x32768xf32, #tpu.memory_space<hbm>>
      %dma_wait3A_164 = tpu.memref_squeeze %dma_wait3A_163 : memref<1x32768xf32, #tpu.memory_space<hbm>> -> memref<32768xf32, #tpu.memory_space<hbm>>
      %dma_wait3A_165 = arith.constant 0 : i32
      %dma_wait3A_166 = tpu.memref_slice %arg2[%add3A_2, %dma_wait3A_165] : memref<128x32768xf32, #tpu.memory_space<hbm>> -> memref<1x32768xf32, #tpu.memory_space<hbm>>
      %dma_wait3A_167 = tpu.memref_squeeze %dma_wait3A_166 : memref<1x32768xf32, #tpu.memory_space<hbm>> -> memref<32768xf32, #tpu.memory_space<hbm>>
      tpu.wait_dma2 semaphore(%run_scoped3A : memref<!tpu.dma_semaphore, #tpu.memory_space<semaphore_mem>>) src(%dma_wait3A_167 : memref<32768xf32, #tpu.memory_space<hbm>>) dst(%arg4 : memref<32768xf32, #tpu.memory_space<vmem>>)
      tpu.yield
    }) : () -> ()
    %broadcast_in_dim3A = arith.constant 0.000000e+00 : f32
    %broadcast_in_dim3A_3 = vector.broadcast %broadcast_in_dim3A : f32 to vector<16xf32>
    %broadcast_in_dim3A_4 = arith.constant 0.000000e+00 : f32
    %broadcast_in_dim3A_5 = vector.broadcast %broadcast_in_dim3A_4 : f32 to vector<16xf32>
    %scan3A = arith.constant 0 : i32
    %scan3A_6 = arith.constant 256 : i32
    %scan3A_7 = arith.addi %scan3A, %scan3A_6 : i32
    %scan3A_8 = arith.constant 1 : i32
    %scan3A_9:2 = scf.for %scan3A_158 = %scan3A to %scan3A_7 step %scan3A_8 iter_args(%scan3A_159 = %broadcast_in_dim3A_3, %scan3A_160 = %broadcast_in_dim3A_5) -> (vector<16xf32>, vector<16xf32>)  : i32 {
      %mul3A_161 = arith.constant 16 : i32
      %mul3A_162 = arith.muli %scan3A_158, %mul3A_161 : i32
      %get3A = arith.index_cast %mul3A_162 : i32 to index
      %get3A_163 = tpu.vector_load %arg4[%get3A] {strides = array<i32>} : memref<32768xf32, #tpu.memory_space<vmem>>, vector<16xf32>,
      %add3A_164 = arith.addf %scan3A_159, %get3A_163 : vector<16xf32>
      %mul3A_165 = arith.mulf %get3A_163, %get3A_163 : vector<16xf32>
      %add3A_166 = arith.addf %scan3A_160, %mul3A_165 : vector<16xf32>
      scf.yield %add3A_164, %add3A_166 : vector<16xf32>, vector<16xf32>
    }
    %scan3A_10 = arith.constant 256 : i32
    %reduce_sum3A = arith.constant true
    %reduce_sum3A_11 = vector.broadcast %reduce_sum3A : i1 to vector<16xi1>
    %reduce_sum3A_12 = tpu.scan <sum>, %scan3A_9#0 masked %reduce_sum3A_11 : vector<16xf32>, vector<16xi1> -> vector<16xf32>
    %reduce_sum3A_13 = vector.extract %reduce_sum3A_12[15] : f32 from vector<16xf32>
    %mul3A_14 = arith.constant 2.44140625E-4 : f32
    %mul3A_15 = arith.mulf %reduce_sum3A_13, %mul3A_14 : f32
    %reduce_sum3A_16 = arith.constant true
    %reduce_sum3A_17 = vector.broadcast %reduce_sum3A_16 : i1 to vector<16xi1>
    %reduce_sum3A_18 = tpu.scan <sum>, %scan3A_9#1 masked %reduce_sum3A_17 : vector<16xf32>, vector<16xi1> -> vector<16xf32>
    %reduce_sum3A_19 = vector.extract %reduce_sum3A_18[15] : f32 from vector<16xf32>
    %mul3A_20 = arith.constant 2.44140625E-4 : f32
    %mul3A_21 = arith.mulf %reduce_sum3A_19, %mul3A_20 : f32
    %mul3A_22 = arith.mulf %mul3A_15, %mul3A_15 : f32
    %sub3A = arith.subf %mul3A_21, %mul3A_22 : f32
    %max3A = arith.constant 1.000000e-30 : f32
    %max3A_23 = arith.maximumf %sub3A, %max3A : f32
    %bitcast_convert_type3A = arith.bitcast %max3A_23 : f32 to i32
    %shift_right_arithmetic3A = arith.constant 1 : i32
    %shift_right_arithmetic3A_24 = arith.shrsi %bitcast_convert_type3A, %shift_right_arithmetic3A : i32
    %sub3A_25 = arith.constant 1597463007 : i32
    %sub3A_26 = arith.subi %sub3A_25, %shift_right_arithmetic3A_24 : i32
    %bitcast_convert_type3A_27 = arith.bitcast %sub3A_26 : i32 to f32
    %mul3A_28 = arith.constant 5.000000e-01 : f32
    %mul3A_29 = arith.mulf %mul3A_28, %max3A_23 : f32
    %mul3A_30 = arith.mulf %mul3A_29, %bitcast_convert_type3A_27 : f32
    %mul3A_31 = arith.mulf %mul3A_30, %bitcast_convert_type3A_27 : f32
    %sub3A_32 = arith.constant 1.500000e+00 : f32
    %sub3A_33 = arith.subf %sub3A_32, %mul3A_31 : f32
    %mul3A_34 = arith.mulf %bitcast_convert_type3A_27, %sub3A_33 : f32
    %mul3A_35 = arith.constant 5.000000e-01 : f32
    %mul3A_36 = arith.mulf %mul3A_35, %max3A_23 : f32
    %mul3A_37 = arith.mulf %mul3A_36, %mul3A_34 : f32
    %mul3A_38 = arith.mulf %mul3A_37, %mul3A_34 : f32
    %sub3A_39 = arith.constant 1.500000e+00 : f32
    %sub3A_40 = arith.subf %sub3A_39, %mul3A_38 : f32
    %mul3A_41 = arith.mulf %mul3A_34, %sub3A_40 : f32
    %mul3A_42 = arith.constant 5.000000e-01 : f32
    %mul3A_43 = arith.mulf %mul3A_42, %max3A_23 : f32
    %mul3A_44 = arith.mulf %mul3A_43, %mul3A_41 : f32
    %mul3A_45 = arith.mulf %mul3A_44, %mul3A_41 : f32
    %sub3A_46 = arith.constant 1.500000e+00 : f32
    %sub3A_47 = arith.subf %sub3A_46, %mul3A_45 : f32
    %mul3A_48 = arith.mulf %mul3A_41, %sub3A_47 : f32
    %mul3A_49 = arith.mulf %max3A_23, %mul3A_48 : f32
    %mul3A_50 = arith.constant 2.15387464 : f32
    %mul3A_51 = arith.mulf %mul3A_50, %mul3A_49 : f32
    %add3A_52 = arith.addf %mul3A_15, %mul3A_51 : f32
    %sub3A_53 = arith.constant 3.500000e-01 : f32
    %sub3A_54 = arith.subf %add3A_52, %sub3A_53 : f32
    %add3A_55 = arith.constant 3.500000e-01 : f32
    %add3A_56 = arith.addf %add3A_52, %add3A_55 : f32
    %broadcast_in_dim3A_57 = arith.constant 0 : i32
    %broadcast_in_dim3A_58 = vector.broadcast %broadcast_in_dim3A_57 : i32 to vector<16xi32>
    %broadcast_in_dim3A_59 = arith.constant 0 : i32
    %broadcast_in_dim3A_60 = vector.broadcast %broadcast_in_dim3A_59 : i32 to vector<16xi32>
    %broadcast_in_dim3A_61 = arith.constant 0 : i32
    %broadcast_in_dim3A_62 = vector.broadcast %broadcast_in_dim3A_61 : i32 to vector<16xi32>
    %broadcast_in_dim3A_63 = arith.constant 0 : i32
    %broadcast_in_dim3A_64 = vector.broadcast %broadcast_in_dim3A_63 : i32 to vector<16xi32>
    %broadcast_in_dim3A_65 = arith.constant 0 : i32
    %broadcast_in_dim3A_66 = vector.broadcast %broadcast_in_dim3A_65 : i32 to vector<16xi32>
    %broadcast_in_dim3A_67 = arith.constant 0 : i32
    %broadcast_in_dim3A_68 = vector.broadcast %broadcast_in_dim3A_67 : i32 to vector<16xi32>
    %broadcast_in_dim3A_69 = arith.constant 0 : i32
    %broadcast_in_dim3A_70 = vector.broadcast %broadcast_in_dim3A_69 : i32 to vector<16xi32>
    %broadcast_in_dim3A_71 = arith.constant 0 : i32
    %broadcast_in_dim3A_72 = vector.broadcast %broadcast_in_dim3A_71 : i32 to vector<16xi32>
    %scan3A_73 = arith.constant 0 : i32
    %scan3A_74 = arith.constant 256 : i32
    %scan3A_75 = arith.addi %scan3A_73, %scan3A_74 : i32
    %scan3A_76 = arith.constant 1 : i32
    %scan3A_77:8 = scf.for %scan3A_158 = %scan3A_73 to %scan3A_75 step %scan3A_76 iter_args(%scan3A_159 = %broadcast_in_dim3A_58, %scan3A_160 = %broadcast_in_dim3A_60, %scan3A_161 = %broadcast_in_dim3A_62, %scan3A_162 = %broadcast_in_dim3A_64, %scan3A_163 = %broadcast_in_dim3A_66, %scan3A_164 = %broadcast_in_dim3A_68, %scan3A_165 = %broadcast_in_dim3A_70, %scan3A_166 = %broadcast_in_dim3A_72) -> (vector<16xi32>, vector<16xi32>, vector<16xi32>, vector<16xi32>, vector<16xi32>, vector<16xi32>, vector<16xi32>, vector<16xi32>)  : i32 {
      %mul3A_167 = arith.constant 128 : i32
      %mul3A_168 = arith.muli %scan3A_158, %mul3A_167 : i32
      %add3A_169 = arith.constant 0 : i32
      %add3A_170 = arith.addi %mul3A_168, %add3A_169 : i32
      %get3A = arith.index_cast %add3A_170 : i32 to index
      %get3A_171 = tpu.vector_load %arg4[%get3A] {strides = array<i32>} : memref<32768xf32, #tpu.memory_space<vmem>>, vector<16xf32>,
      %ge3A_172 = vector.broadcast %sub3A_54 : f32 to vector<16xf32>
      %ge3A_173 = arith.cmpf oge, %get3A_171, %ge3A_172 : vector<16xf32>
      %jit3A_174 = arith.constant 1 : i32
      %jit3A_175 = arith.constant 0 : i32
      %broadcast_in_dim3A_176 = vector.broadcast %jit3A_174 : i32 to vector<16xi32>
      %broadcast_in_dim3A_177 = vector.broadcast %jit3A_175 : i32 to vector<16xi32>
      %select_n3A_178 = arith.select %ge3A_173, %broadcast_in_dim3A_176, %broadcast_in_dim3A_177 : vector<16xi1>, vector<16xi32>
      %add3A_179 = arith.addi %scan3A_159, %select_n3A_178 : vector<16xi32>
      %add3A_180 = arith.constant 16 : i32
      %add3A_181 = arith.addi %mul3A_168, %add3A_180 : i32
      %get3A_182 = arith.index_cast %add3A_181 : i32 to index
      %get3A_183 = tpu.vector_load %arg4[%get3A_182] {strides = array<i32>} : memref<32768xf32, #tpu.memory_space<vmem>>, vector<16xf32>,
      %ge3A_184 = vector.broadcast %sub3A_54 : f32 to vector<16xf32>
      %ge3A_185 = arith.cmpf oge, %get3A_183, %ge3A_184 : vector<16xf32>
      %jit3A_186 = arith.constant 1 : i32
      %jit3A_187 = arith.constant 0 : i32
      %broadcast_in_dim3A_188 = vector.broadcast %jit3A_186 : i32 to vector<16xi32>
      %broadcast_in_dim3A_189 = vector.broadcast %jit3A_187 : i32 to vector<16xi32>
      %select_n3A_190 = arith.select %ge3A_185, %broadcast_in_dim3A_188, %broadcast_in_dim3A_189 : vector<16xi1>, vector<16xi32>
      %add3A_191 = arith.addi %scan3A_160, %select_n3A_190 : vector<16xi32>
      %add3A_192 = arith.constant 32 : i32
      %add3A_193 = arith.addi %mul3A_168, %add3A_192 : i32
      %get3A_194 = arith.index_cast %add3A_193 : i32 to index
      %get3A_195 = tpu.vector_load %arg4[%get3A_194] {strides = array<i32>} : memref<32768xf32, #tpu.memory_space<vmem>>, vector<16xf32>,
      %ge3A_196 = vector.broadcast %sub3A_54 : f32 to vector<16xf32>
      %ge3A_197 = arith.cmpf oge, %get3A_195, %ge3A_196 : vector<16xf32>
      %jit3A_198 = arith.constant 1 : i32
      %jit3A_199 = arith.constant 0 : i32
      %broadcast_in_dim3A_200 = vector.broadcast %jit3A_198 : i32 to vector<16xi32>
      %broadcast_in_dim3A_201 = vector.broadcast %jit3A_199 : i32 to vector<16xi32>
      %select_n3A_202 = arith.select %ge3A_197, %broadcast_in_dim3A_200, %broadcast_in_dim3A_201 : vector<16xi1>, vector<16xi32>
      %add3A_203 = arith.addi %scan3A_161, %select_n3A_202 : vector<16xi32>
      %add3A_204 = arith.constant 48 : i32
      %add3A_205 = arith.addi %mul3A_168, %add3A_204 : i32
      %get3A_206 = arith.index_cast %add3A_205 : i32 to index
      %get3A_207 = tpu.vector_load %arg4[%get3A_206] {strides = array<i32>} : memref<32768xf32, #tpu.memory_space<vmem>>, vector<16xf32>,
      %ge3A_208 = vector.broadcast %sub3A_54 : f32 to vector<16xf32>
      %ge3A_209 = arith.cmpf oge, %get3A_207, %ge3A_208 : vector<16xf32>
      %jit3A_210 = arith.constant 1 : i32
      %jit3A_211 = arith.constant 0 : i32
      %broadcast_in_dim3A_212 = vector.broadcast %jit3A_210 : i32 to vector<16xi32>
      %broadcast_in_dim3A_213 = vector.broadcast %jit3A_211 : i32 to vector<16xi32>
      %select_n3A_214 = arith.select %ge3A_209, %broadcast_in_dim3A_212, %broadcast_in_dim3A_213 : vector<16xi1>, vector<16xi32>
      %add3A_215 = arith.addi %scan3A_162, %select_n3A_214 : vector<16xi32>
      %add3A_216 = arith.constant 64 : i32
      %add3A_217 = arith.addi %mul3A_168, %add3A_216 : i32
      %get3A_218 = arith.index_cast %add3A_217 : i32 to index
      %get3A_219 = tpu.vector_load %arg4[%get3A_218] {strides = array<i32>} : memref<32768xf32, #tpu.memory_space<vmem>>, vector<16xf32>,
      %ge3A_220 = vector.broadcast %sub3A_54 : f32 to vector<16xf32>
      %ge3A_221 = arith.cmpf oge, %get3A_219, %ge3A_220 : vector<16xf32>
      %jit3A_222 = arith.constant 1 : i32
      %jit3A_223 = arith.constant 0 : i32
      %broadcast_in_dim3A_224 = vector.broadcast %jit3A_222 : i32 to vector<16xi32>
      %broadcast_in_dim3A_225 = vector.broadcast %jit3A_223 : i32 to vector<16xi32>
      %select_n3A_226 = arith.select %ge3A_221, %broadcast_in_dim3A_224, %broadcast_in_dim3A_225 : vector<16xi1>, vector<16xi32>
      %add3A_227 = arith.addi %scan3A_163, %select_n3A_226 : vector<16xi32>
      %add3A_228 = arith.constant 80 : i32
      %add3A_229 = arith.addi %mul3A_168, %add3A_228 : i32
      %get3A_230 = arith.index_cast %add3A_229 : i32 to index
      %get3A_231 = tpu.vector_load %arg4[%get3A_230] {strides = array<i32>} : memref<32768xf32, #tpu.memory_space<vmem>>, vector<16xf32>,
      %ge3A_232 = vector.broadcast %sub3A_54 : f32 to vector<16xf32>
      %ge3A_233 = arith.cmpf oge, %get3A_231, %ge3A_232 : vector<16xf32>
      %jit3A_234 = arith.constant 1 : i32
      %jit3A_235 = arith.constant 0 : i32
      %broadcast_in_dim3A_236 = vector.broadcast %jit3A_234 : i32 to vector<16xi32>
      %broadcast_in_dim3A_237 = vector.broadcast %jit3A_235 : i32 to vector<16xi32>
      %select_n3A_238 = arith.select %ge3A_233, %broadcast_in_dim3A_236, %broadcast_in_dim3A_237 : vector<16xi1>, vector<16xi32>
      %add3A_239 = arith.addi %scan3A_164, %select_n3A_238 : vector<16xi32>
      %add3A_240 = arith.constant 96 : i32
      %add3A_241 = arith.addi %mul3A_168, %add3A_240 : i32
      %get3A_242 = arith.index_cast %add3A_241 : i32 to index
      %get3A_243 = tpu.vector_load %arg4[%get3A_242] {strides = array<i32>} : memref<32768xf32, #tpu.memory_space<vmem>>, vector<16xf32>,
      %ge3A_244 = vector.broadcast %sub3A_54 : f32 to vector<16xf32>
      %ge3A_245 = arith.cmpf oge, %get3A_243, %ge3A_244 : vector<16xf32>
      %jit3A_246 = arith.constant 1 : i32
      %jit3A_247 = arith.constant 0 : i32
      %broadcast_in_dim3A_248 = vector.broadcast %jit3A_246 : i32 to vector<16xi32>
      %broadcast_in_dim3A_249 = vector.broadcast %jit3A_247 : i32 to vector<16xi32>
      %select_n3A_250 = arith.select %ge3A_245, %broadcast_in_dim3A_248, %broadcast_in_dim3A_249 : vector<16xi1>, vector<16xi32>
      %add3A_251 = arith.addi %scan3A_165, %select_n3A_250 : vector<16xi32>
      %add3A_252 = arith.constant 112 : i32
      %add3A_253 = arith.addi %mul3A_168, %add3A_252 : i32
      %get3A_254 = arith.index_cast %add3A_253 : i32 to index
      %get3A_255 = tpu.vector_load %arg4[%get3A_254] {strides = array<i32>} : memref<32768xf32, #tpu.memory_space<vmem>>, vector<16xf32>,
      %ge3A_256 = vector.broadcast %sub3A_54 : f32 to vector<16xf32>
      %ge3A_257 = arith.cmpf oge, %get3A_255, %ge3A_256 : vector<16xf32>
      %jit3A_258 = arith.constant 1 : i32
      %jit3A_259 = arith.constant 0 : i32
      %broadcast_in_dim3A_260 = vector.broadcast %jit3A_258 : i32 to vector<16xi32>
      %broadcast_in_dim3A_261 = vector.broadcast %jit3A_259 : i32 to vector<16xi32>
      %select_n3A_262 = arith.select %ge3A_257, %broadcast_in_dim3A_260, %broadcast_in_dim3A_261 : vector<16xi1>, vector<16xi32>
      %add3A_263 = arith.addi %scan3A_166, %select_n3A_262 : vector<16xi32>
      scf.yield %add3A_179, %add3A_191, %add3A_203, %add3A_215, %add3A_227, %add3A_239, %add3A_251, %add3A_263 : vector<16xi32>, vector<16xi32>, vector<16xi32>, vector<16xi32>, vector<16xi32>, vector<16xi32>, vector<16xi32>, vector<16xi32>
    }
    %scan3A_78 = arith.constant 256 : i32
    %add3A_79 = arith.addi %scan3A_77#0, %scan3A_77#1 : vector<16xi32>
    %add3A_80 = arith.addi %add3A_79, %scan3A_77#2 : vector<16xi32>
    %add3A_81 = arith.addi %add3A_80, %scan3A_77#3 : vector<16xi32>
    %add3A_82 = arith.addi %add3A_81, %scan3A_77#4 : vector<16xi32>
    %add3A_83 = arith.addi %add3A_82, %scan3A_77#5 : vector<16xi32>
    %add3A_84 = arith.addi %add3A_83, %scan3A_77#6 : vector<16xi32>
    %add3A_85 = arith.addi %add3A_84, %scan3A_77#7 : vector<16xi32>
    %reduce_sum3A_86 = arith.constant true
    %reduce_sum3A_87 = vector.broadcast %reduce_sum3A_86 : i1 to vector<16xi1>
    %reduce_sum3A_88 = tpu.scan <sum>, %add3A_85 masked %reduce_sum3A_87 : vector<16xi32>, vector<16xi1> -> vector<16xi32>
    %reduce_sum3A_89 = vector.extract %reduce_sum3A_88[15] : i32 from vector<16xi32>
    %broadcast_in_dim3A_90 = arith.constant 0 : i32
    %broadcast_in_dim3A_91 = vector.broadcast %broadcast_in_dim3A_90 : i32 to vector<16xi32>
    %broadcast_in_dim3A_92 = arith.constant 0 : i32
    %broadcast_in_dim3A_93 = vector.broadcast %broadcast_in_dim3A_92 : i32 to vector<16xi32>
    %broadcast_in_dim3A_94 = arith.constant 0 : i32
    %broadcast_in_dim3A_95 = vector.broadcast %broadcast_in_dim3A_94 : i32 to vector<16xi32>
    %broadcast_in_dim3A_96 = arith.constant 0 : i32
    %broadcast_in_dim3A_97 = vector.broadcast %broadcast_in_dim3A_96 : i32 to vector<16xi32>
    %broadcast_in_dim3A_98 = arith.constant 0 : i32
    %broadcast_in_dim3A_99 = vector.broadcast %broadcast_in_dim3A_98 : i32 to vector<16xi32>
    %broadcast_in_dim3A_100 = arith.constant 0 : i32
    %broadcast_in_dim3A_101 = vector.broadcast %broadcast_in_dim3A_100 : i32 to vector<16xi32>
    %broadcast_in_dim3A_102 = arith.constant 0 : i32
    %broadcast_in_dim3A_103 = vector.broadcast %broadcast_in_dim3A_102 : i32 to vector<16xi32>
    %broadcast_in_dim3A_104 = arith.constant 0 : i32
    %broadcast_in_dim3A_105 = vector.broadcast %broadcast_in_dim3A_104 : i32 to vector<16xi32>
    %scan3A_106 = arith.constant 0 : i32
    %scan3A_107 = arith.constant 256 : i32
    %scan3A_108 = arith.addi %scan3A_106, %scan3A_107 : i32
    %scan3A_109 = arith.constant 1 : i32
    %scan3A_110:8 = scf.for %scan3A_158 = %scan3A_106 to %scan3A_108 step %scan3A_109 iter_args(%scan3A_159 = %broadcast_in_dim3A_91, %scan3A_160 = %broadcast_in_dim3A_93, %scan3A_161 = %broadcast_in_dim3A_95, %scan3A_162 = %broadcast_in_dim3A_97, %scan3A_163 = %broadcast_in_dim3A_99, %scan3A_164 = %broadcast_in_dim3A_101, %scan3A_165 = %broadcast_in_dim3A_103, %scan3A_166 = %broadcast_in_dim3A_105) -> (vector<16xi32>, vector<16xi32>, vector<16xi32>, vector<16xi32>, vector<16xi32>, vector<16xi32>, vector<16xi32>, vector<16xi32>)  : i32 {
      %mul3A_167 = arith.constant 128 : i32
      %mul3A_168 = arith.muli %scan3A_158, %mul3A_167 : i32
      %add3A_169 = arith.constant 0 : i32
      %add3A_170 = arith.addi %mul3A_168, %add3A_169 : i32
      %get3A = arith.index_cast %add3A_170 : i32 to index
      %get3A_171 = tpu.vector_load %arg4[%get3A] {strides = array<i32>} : memref<32768xf32, #tpu.memory_space<vmem>>, vector<16xf32>,
      %ge3A_172 = vector.broadcast %add3A_56 : f32 to vector<16xf32>
      %ge3A_173 = arith.cmpf oge, %get3A_171, %ge3A_172 : vector<16xf32>
      %jit3A_174 = arith.constant 1 : i32
      %jit3A_175 = arith.constant 0 : i32
      %broadcast_in_dim3A_176 = vector.broadcast %jit3A_174 : i32 to vector<16xi32>
      %broadcast_in_dim3A_177 = vector.broadcast %jit3A_175 : i32 to vector<16xi32>
      %select_n3A_178 = arith.select %ge3A_173, %broadcast_in_dim3A_176, %broadcast_in_dim3A_177 : vector<16xi1>, vector<16xi32>
      %add3A_179 = arith.addi %scan3A_159, %select_n3A_178 : vector<16xi32>
      %add3A_180 = arith.constant 16 : i32
      %add3A_181 = arith.addi %mul3A_168, %add3A_180 : i32
      %get3A_182 = arith.index_cast %add3A_181 : i32 to index
      %get3A_183 = tpu.vector_load %arg4[%get3A_182] {strides = array<i32>} : memref<32768xf32, #tpu.memory_space<vmem>>, vector<16xf32>,
      %ge3A_184 = vector.broadcast %add3A_56 : f32 to vector<16xf32>
      %ge3A_185 = arith.cmpf oge, %get3A_183, %ge3A_184 : vector<16xf32>
      %jit3A_186 = arith.constant 1 : i32
      %jit3A_187 = arith.constant 0 : i32
      %broadcast_in_dim3A_188 = vector.broadcast %jit3A_186 : i32 to vector<16xi32>
      %broadcast_in_dim3A_189 = vector.broadcast %jit3A_187 : i32 to vector<16xi32>
      %select_n3A_190 = arith.select %ge3A_185, %broadcast_in_dim3A_188, %broadcast_in_dim3A_189 : vector<16xi1>, vector<16xi32>
      %add3A_191 = arith.addi %scan3A_160, %select_n3A_190 : vector<16xi32>
      %add3A_192 = arith.constant 32 : i32
      %add3A_193 = arith.addi %mul3A_168, %add3A_192 : i32
      %get3A_194 = arith.index_cast %add3A_193 : i32 to index
      %get3A_195 = tpu.vector_load %arg4[%get3A_194] {strides = array<i32>} : memref<32768xf32, #tpu.memory_space<vmem>>, vector<16xf32>,
      %ge3A_196 = vector.broadcast %add3A_56 : f32 to vector<16xf32>
      %ge3A_197 = arith.cmpf oge, %get3A_195, %ge3A_196 : vector<16xf32>
      %jit3A_198 = arith.constant 1 : i32
      %jit3A_199 = arith.constant 0 : i32
      %broadcast_in_dim3A_200 = vector.broadcast %jit3A_198 : i32 to vector<16xi32>
      %broadcast_in_dim3A_201 = vector.broadcast %jit3A_199 : i32 to vector<16xi32>
      %select_n3A_202 = arith.select %ge3A_197, %broadcast_in_dim3A_200, %broadcast_in_dim3A_201 : vector<16xi1>, vector<16xi32>
      %add3A_203 = arith.addi %scan3A_161, %select_n3A_202 : vector<16xi32>
      %add3A_204 = arith.constant 48 : i32
      %add3A_205 = arith.addi %mul3A_168, %add3A_204 : i32
      %get3A_206 = arith.index_cast %add3A_205 : i32 to index
      %get3A_207 = tpu.vector_load %arg4[%get3A_206] {strides = array<i32>} : memref<32768xf32, #tpu.memory_space<vmem>>, vector<16xf32>,
      %ge3A_208 = vector.broadcast %add3A_56 : f32 to vector<16xf32>
      %ge3A_209 = arith.cmpf oge, %get3A_207, %ge3A_208 : vector<16xf32>
      %jit3A_210 = arith.constant 1 : i32
      %jit3A_211 = arith.constant 0 : i32
      %broadcast_in_dim3A_212 = vector.broadcast %jit3A_210 : i32 to vector<16xi32>
      %broadcast_in_dim3A_213 = vector.broadcast %jit3A_211 : i32 to vector<16xi32>
      %select_n3A_214 = arith.select %ge3A_209, %broadcast_in_dim3A_212, %broadcast_in_dim3A_213 : vector<16xi1>, vector<16xi32>
      %add3A_215 = arith.addi %scan3A_162, %select_n3A_214 : vector<16xi32>
      %add3A_216 = arith.constant 64 : i32
      %add3A_217 = arith.addi %mul3A_168, %add3A_216 : i32
      %get3A_218 = arith.index_cast %add3A_217 : i32 to index
      %get3A_219 = tpu.vector_load %arg4[%get3A_218] {strides = array<i32>} : memref<32768xf32, #tpu.memory_space<vmem>>, vector<16xf32>,
      %ge3A_220 = vector.broadcast %add3A_56 : f32 to vector<16xf32>
      %ge3A_221 = arith.cmpf oge, %get3A_219, %ge3A_220 : vector<16xf32>
      %jit3A_222 = arith.constant 1 : i32
      %jit3A_223 = arith.constant 0 : i32
      %broadcast_in_dim3A_224 = vector.broadcast %jit3A_222 : i32 to vector<16xi32>
      %broadcast_in_dim3A_225 = vector.broadcast %jit3A_223 : i32 to vector<16xi32>
      %select_n3A_226 = arith.select %ge3A_221, %broadcast_in_dim3A_224, %broadcast_in_dim3A_225 : vector<16xi1>, vector<16xi32>
      %add3A_227 = arith.addi %scan3A_163, %select_n3A_226 : vector<16xi32>
      %add3A_228 = arith.constant 80 : i32
      %add3A_229 = arith.addi %mul3A_168, %add3A_228 : i32
      %get3A_230 = arith.index_cast %add3A_229 : i32 to index
      %get3A_231 = tpu.vector_load %arg4[%get3A_230] {strides = array<i32>} : memref<32768xf32, #tpu.memory_space<vmem>>, vector<16xf32>,
      %ge3A_232 = vector.broadcast %add3A_56 : f32 to vector<16xf32>
      %ge3A_233 = arith.cmpf oge, %get3A_231, %ge3A_232 : vector<16xf32>
      %jit3A_234 = arith.constant 1 : i32
      %jit3A_235 = arith.constant 0 : i32
      %broadcast_in_dim3A_236 = vector.broadcast %jit3A_234 : i32 to vector<16xi32>
      %broadcast_in_dim3A_237 = vector.broadcast %jit3A_235 : i32 to vector<16xi32>
      %select_n3A_238 = arith.select %ge3A_233, %broadcast_in_dim3A_236, %broadcast_in_dim3A_237 : vector<16xi1>, vector<16xi32>
      %add3A_239 = arith.addi %scan3A_164, %select_n3A_238 : vector<16xi32>
      %add3A_240 = arith.constant 96 : i32
      %add3A_241 = arith.addi %mul3A_168, %add3A_240 : i32
      %get3A_242 = arith.index_cast %add3A_241 : i32 to index
      %get3A_243 = tpu.vector_load %arg4[%get3A_242] {strides = array<i32>} : memref<32768xf32, #tpu.memory_space<vmem>>, vector<16xf32>,
      %ge3A_244 = vector.broadcast %add3A_56 : f32 to vector<16xf32>
      %ge3A_245 = arith.cmpf oge, %get3A_243, %ge3A_244 : vector<16xf32>
      %jit3A_246 = arith.constant 1 : i32
      %jit3A_247 = arith.constant 0 : i32
      %broadcast_in_dim3A_248 = vector.broadcast %jit3A_246 : i32 to vector<16xi32>
      %broadcast_in_dim3A_249 = vector.broadcast %jit3A_247 : i32 to vector<16xi32>
      %select_n3A_250 = arith.select %ge3A_245, %broadcast_in_dim3A_248, %broadcast_in_dim3A_249 : vector<16xi1>, vector<16xi32>
      %add3A_251 = arith.addi %scan3A_165, %select_n3A_250 : vector<16xi32>
      %add3A_252 = arith.constant 112 : i32
      %add3A_253 = arith.addi %mul3A_168, %add3A_252 : i32
      %get3A_254 = arith.index_cast %add3A_253 : i32 to index
      %get3A_255 = tpu.vector_load %arg4[%get3A_254] {strides = array<i32>} : memref<32768xf32, #tpu.memory_space<vmem>>, vector<16xf32>,
      %ge3A_256 = vector.broadcast %add3A_56 : f32 to vector<16xf32>
      %ge3A_257 = arith.cmpf oge, %get3A_255, %ge3A_256 : vector<16xf32>
      %jit3A_258 = arith.constant 1 : i32
      %jit3A_259 = arith.constant 0 : i32
      %broadcast_in_dim3A_260 = vector.broadcast %jit3A_258 : i32 to vector<16xi32>
      %broadcast_in_dim3A_261 = vector.broadcast %jit3A_259 : i32 to vector<16xi32>
      %select_n3A_262 = arith.select %ge3A_257, %broadcast_in_dim3A_260, %broadcast_in_dim3A_261 : vector<16xi1>, vector<16xi32>
      %add3A_263 = arith.addi %scan3A_166, %select_n3A_262 : vector<16xi32>
      scf.yield %add3A_179, %add3A_191, %add3A_203, %add3A_215, %add3A_227, %add3A_239, %add3A_251, %add3A_263 : vector<16xi32>, vector<16xi32>, vector<16xi32>, vector<16xi32>, vector<16xi32>, vector<16xi32>, vector<16xi32>, vector<16xi32>
    }
    %scan3A_111 = arith.constant 256 : i32
    %add3A_112 = arith.addi %scan3A_110#0, %scan3A_110#1 : vector<16xi32>
    %add3A_113 = arith.addi %add3A_112, %scan3A_110#2 : vector<16xi32>
    %add3A_114 = arith.addi %add3A_113, %scan3A_110#3 : vector<16xi32>
    %add3A_115 = arith.addi %add3A_114, %scan3A_110#4 : vector<16xi32>
    %add3A_116 = arith.addi %add3A_115, %scan3A_110#5 : vector<16xi32>
    %add3A_117 = arith.addi %add3A_116, %scan3A_110#6 : vector<16xi32>
    %add3A_118 = arith.addi %add3A_117, %scan3A_110#7 : vector<16xi32>
    %reduce_sum3A_119 = arith.constant true
    %reduce_sum3A_120 = vector.broadcast %reduce_sum3A_119 : i1 to vector<16xi1>
    %reduce_sum3A_121 = tpu.scan <sum>, %add3A_118 masked %reduce_sum3A_120 : vector<16xi32>, vector<16xi1> -> vector<16xi32>
    %reduce_sum3A_122 = vector.extract %reduce_sum3A_121[15] : i32 from vector<16xi32>
    %ge3A = arith.constant 512 : i32
    %ge3A_123 = arith.cmpi sge, %reduce_sum3A_89, %ge3A : i32
    %lt3A = arith.constant 512 : i32
    %lt3A_124 = arith.cmpi slt, %reduce_sum3A_122, %lt3A : i32
    %and3A = arith.andi %ge3A_123, %lt3A_124 : i1
    %bitcast_convert_type3A_125 = arith.bitcast %sub3A_54 : f32 to i32
    %lt3A_126 = arith.constant 0 : i32
    %lt3A_127 = arith.cmpi slt, %bitcast_convert_type3A_125, %lt3A_126 : i32
    %xor3A = arith.constant 2147483647 : i32
    %xor3A_128 = arith.xori %bitcast_convert_type3A_125, %xor3A : i32
    %select_n3A = arith.select %lt3A_127, %xor3A_128, %bitcast_convert_type3A_125 : i32
    %jit3A = arith.constant -2139095041 : i32
    %select_n3A_129 = arith.select %and3A, %select_n3A, %jit3A : i32
    %bitcast_convert_type3A_130 = arith.bitcast %add3A_56 : f32 to i32
    %lt3A_131 = arith.constant 0 : i32
    %lt3A_132 = arith.cmpi slt, %bitcast_convert_type3A_130, %lt3A_131 : i32
    %xor3A_133 = arith.constant 2147483647 : i32
    %xor3A_134 = arith.xori %bitcast_convert_type3A_130, %xor3A_133 : i32
    %select_n3A_135 = arith.select %lt3A_132, %xor3A_134, %bitcast_convert_type3A_130 : i32
    %jit3A_136 = arith.constant 2139095040 : i32
    %select_n3A_137 = arith.select %and3A, %select_n3A_135, %jit3A_136 : i32
    %jit3A_138 = arith.constant 32768 : i32
    %select_n3A_139 = arith.select %and3A, %reduce_sum3A_89, %jit3A_138 : i32
    %jit3A_140 = arith.constant 0 : i32
    %select_n3A_141 = arith.select %and3A, %reduce_sum3A_122, %jit3A_140 : i32
    %while3A = arith.constant 0 : i32
    %while3A_142:5 = scf.while (%while3A_158 = %while3A, %while3A_159 = %select_n3A_129, %while3A_160 = %select_n3A_137, %while3A_161 = %select_n3A_139, %while3A_162 = %select_n3A_141) : (i32, i32, i32, i32, i32) -> (i32, i32, i32, i32, i32) {
      %gt3A = arith.constant 512 : i32
      %gt3A_163 = arith.cmpi sgt, %while3A_161, %gt3A : i32
      %sub3A_164 = arith.constant 1 : i32
      %sub3A_165 = arith.subi %while3A_160, %sub3A_164 : i32
      %gt3A_166 = arith.cmpi sgt, %sub3A_165, %while3A_159 : i32
      %and3A_167 = arith.andi %gt3A_163, %gt3A_166 : i1
      scf.condition(%and3A_167) %while3A_158, %while3A_159, %while3A_160, %while3A_161, %while3A_162 : i32, i32, i32, i32, i32
    } do {
    ^bb0(%while3A_158: i32, %while3A_159: i32, %while3A_160: i32, %while3A_161: i32, %while3A_162: i32):
      %sub3A_163 = arith.subi %while3A_161, %while3A_162 : i32
      %convert_element_type3A = arith.sitofp %sub3A_163 : i32 to f32
      %max3A_164 = arith.constant 1.000000e+00 : f32
      %max3A_165 = arith.maximumf %convert_element_type3A, %max3A_164 : f32
      %bitcast_convert_type3A_166 = arith.bitcast %max3A_165 : f32 to i32
      %sub3A_167 = arith.constant 2129859011 : i32
      %sub3A_168 = arith.subi %sub3A_167, %bitcast_convert_type3A_166 : i32
      %bitcast_convert_type3A_169 = arith.bitcast %sub3A_168 : i32 to f32
      %mul3A_170 = arith.mulf %max3A_165, %bitcast_convert_type3A_169 : f32
      %sub3A_171 = arith.constant 2.000000e+00 : f32
      %sub3A_172 = arith.subf %sub3A_171, %mul3A_170 : f32
      %mul3A_173 = arith.mulf %bitcast_convert_type3A_169, %sub3A_172 : f32
      %mul3A_174 = arith.mulf %max3A_165, %mul3A_173 : f32
      %sub3A_175 = arith.constant 2.000000e+00 : f32
      %sub3A_176 = arith.subf %sub3A_175, %mul3A_174 : f32
      %mul3A_177 = arith.mulf %mul3A_173, %sub3A_176 : f32
      %mul3A_178 = arith.mulf %max3A_165, %mul3A_177 : f32
      %sub3A_179 = arith.constant 2.000000e+00 : f32
      %sub3A_180 = arith.subf %sub3A_179, %mul3A_178 : f32
      %mul3A_181 = arith.mulf %mul3A_177, %sub3A_180 : f32
      %sub3A_182 = arith.constant 512 : i32
      %sub3A_183 = arith.subi %while3A_161, %sub3A_182 : i32
      %convert_element_type3A_184 = arith.sitofp %sub3A_183 : i32 to f32
      %mul3A_185 = arith.mulf %convert_element_type3A_184, %mul3A_181 : f32
      %sub3A_186 = arith.subi %while3A_160, %while3A_159 : i32
      %convert_element_type3A_187 = arith.sitofp %sub3A_186 : i32 to f32
      %mul3A_188 = arith.mulf %mul3A_185, %convert_element_type3A_187 : f32
      %convert_element_type3A_189 = arith.fptosi %mul3A_188 : f32 to i32
      %add3A_190 = arith.addi %while3A_159, %convert_element_type3A_189 : i32
      %add3A_191 = arith.constant 1 : i32
      %add3A_192 = arith.addi %while3A_159, %add3A_191 : i32
      %sub3A_193 = arith.constant 1 : i32
      %sub3A_194 = arith.subi %while3A_160, %sub3A_193 : i32
      %max3A_195 = arith.maxsi %add3A_192, %add3A_190 : i32
      %min3A = arith.minsi %sub3A_194, %max3A_195 : i32
      %lt3A_196 = arith.constant 0 : i32
      %lt3A_197 = arith.cmpi slt, %min3A, %lt3A_196 : i32
      %xor3A_198 = arith.constant 2147483647 : i32
      %xor3A_199 = arith.xori %min3A, %xor3A_198 : i32
      %select_n3A_200 = arith.select %lt3A_197, %xor3A_199, %min3A : i32
      %bitcast_convert_type3A_201 = arith.bitcast %select_n3A_200 : i32 to f32
      %broadcast_in_dim3A_202 = arith.constant 0 : i32
      %broadcast_in_dim3A_203 = vector.broadcast %broadcast_in_dim3A_202 : i32 to vector<16xi32>
      %broadcast_in_dim3A_204 = arith.constant 0 : i32
      %broadcast_in_dim3A_205 = vector.broadcast %broadcast_in_dim3A_204 : i32 to vector<16xi32>
      %broadcast_in_dim3A_206 = arith.constant 0 : i32
      %broadcast_in_dim3A_207 = vector.broadcast %broadcast_in_dim3A_206 : i32 to vector<16xi32>
      %broadcast_in_dim3A_208 = arith.constant 0 : i32
      %broadcast_in_dim3A_209 = vector.broadcast %broadcast_in_dim3A_208 : i32 to vector<16xi32>
      %broadcast_in_dim3A_210 = arith.constant 0 : i32
      %broadcast_in_dim3A_211 = vector.broadcast %broadcast_in_dim3A_210 : i32 to vector<16xi32>
      %broadcast_in_dim3A_212 = arith.constant 0 : i32
      %broadcast_in_dim3A_213 = vector.broadcast %broadcast_in_dim3A_212 : i32 to vector<16xi32>
      %broadcast_in_dim3A_214 = arith.constant 0 : i32
      %broadcast_in_dim3A_215 = vector.broadcast %broadcast_in_dim3A_214 : i32 to vector<16xi32>
      %broadcast_in_dim3A_216 = arith.constant 0 : i32
      %broadcast_in_dim3A_217 = vector.broadcast %broadcast_in_dim3A_216 : i32 to vector<16xi32>
      %scan3A_218 = arith.constant 0 : i32
      %scan3A_219 = arith.constant 256 : i32
      %scan3A_220 = arith.addi %scan3A_218, %scan3A_219 : i32
      %scan3A_221 = arith.constant 1 : i32
      %scan3A_222:8 = scf.for %scan3A_336 = %scan3A_218 to %scan3A_220 step %scan3A_221 iter_args(%scan3A_337 = %broadcast_in_dim3A_203, %scan3A_338 = %broadcast_in_dim3A_205, %scan3A_339 = %broadcast_in_dim3A_207, %scan3A_340 = %broadcast_in_dim3A_209, %scan3A_341 = %broadcast_in_dim3A_211, %scan3A_342 = %broadcast_in_dim3A_213, %scan3A_343 = %broadcast_in_dim3A_215, %scan3A_344 = %broadcast_in_dim3A_217) -> (vector<16xi32>, vector<16xi32>, vector<16xi32>, vector<16xi32>, vector<16xi32>, vector<16xi32>, vector<16xi32>, vector<16xi32>)  : i32 {
        %mul3A_345 = arith.constant 128 : i32
        %mul3A_346 = arith.muli %scan3A_336, %mul3A_345 : i32
        %add3A_347 = arith.constant 0 : i32
        %add3A_348 = arith.addi %mul3A_346, %add3A_347 : i32
        %get3A = arith.index_cast %add3A_348 : i32 to index
        %get3A_349 = tpu.vector_load %arg4[%get3A] {strides = array<i32>} : memref<32768xf32, #tpu.memory_space<vmem>>, vector<16xf32>,
        %ge3A_350 = vector.broadcast %bitcast_convert_type3A_201 : f32 to vector<16xf32>
        %ge3A_351 = arith.cmpf oge, %get3A_349, %ge3A_350 : vector<16xf32>
        %jit3A_352 = arith.constant 1 : i32
        %jit3A_353 = arith.constant 0 : i32
        %broadcast_in_dim3A_354 = vector.broadcast %jit3A_352 : i32 to vector<16xi32>
        %broadcast_in_dim3A_355 = vector.broadcast %jit3A_353 : i32 to vector<16xi32>
        %select_n3A_356 = arith.select %ge3A_351, %broadcast_in_dim3A_354, %broadcast_in_dim3A_355 : vector<16xi1>, vector<16xi32>
        %add3A_357 = arith.addi %scan3A_337, %select_n3A_356 : vector<16xi32>
        %add3A_358 = arith.constant 16 : i32
        %add3A_359 = arith.addi %mul3A_346, %add3A_358 : i32
        %get3A_360 = arith.index_cast %add3A_359 : i32 to index
        %get3A_361 = tpu.vector_load %arg4[%get3A_360] {strides = array<i32>} : memref<32768xf32, #tpu.memory_space<vmem>>, vector<16xf32>,
        %ge3A_362 = vector.broadcast %bitcast_convert_type3A_201 : f32 to vector<16xf32>
        %ge3A_363 = arith.cmpf oge, %get3A_361, %ge3A_362 : vector<16xf32>
        %jit3A_364 = arith.constant 1 : i32
        %jit3A_365 = arith.constant 0 : i32
        %broadcast_in_dim3A_366 = vector.broadcast %jit3A_364 : i32 to vector<16xi32>
        %broadcast_in_dim3A_367 = vector.broadcast %jit3A_365 : i32 to vector<16xi32>
        %select_n3A_368 = arith.select %ge3A_363, %broadcast_in_dim3A_366, %broadcast_in_dim3A_367 : vector<16xi1>, vector<16xi32>
        %add3A_369 = arith.addi %scan3A_338, %select_n3A_368 : vector<16xi32>
        %add3A_370 = arith.constant 32 : i32
        %add3A_371 = arith.addi %mul3A_346, %add3A_370 : i32
        %get3A_372 = arith.index_cast %add3A_371 : i32 to index
        %get3A_373 = tpu.vector_load %arg4[%get3A_372] {strides = array<i32>} : memref<32768xf32, #tpu.memory_space<vmem>>, vector<16xf32>,
        %ge3A_374 = vector.broadcast %bitcast_convert_type3A_201 : f32 to vector<16xf32>
        %ge3A_375 = arith.cmpf oge, %get3A_373, %ge3A_374 : vector<16xf32>
        %jit3A_376 = arith.constant 1 : i32
        %jit3A_377 = arith.constant 0 : i32
        %broadcast_in_dim3A_378 = vector.broadcast %jit3A_376 : i32 to vector<16xi32>
        %broadcast_in_dim3A_379 = vector.broadcast %jit3A_377 : i32 to vector<16xi32>
        %select_n3A_380 = arith.select %ge3A_375, %broadcast_in_dim3A_378, %broadcast_in_dim3A_379 : vector<16xi1>, vector<16xi32>
        %add3A_381 = arith.addi %scan3A_339, %select_n3A_380 : vector<16xi32>
        %add3A_382 = arith.constant 48 : i32
        %add3A_383 = arith.addi %mul3A_346, %add3A_382 : i32
        %get3A_384 = arith.index_cast %add3A_383 : i32 to index
        %get3A_385 = tpu.vector_load %arg4[%get3A_384] {strides = array<i32>} : memref<32768xf32, #tpu.memory_space<vmem>>, vector<16xf32>,
        %ge3A_386 = vector.broadcast %bitcast_convert_type3A_201 : f32 to vector<16xf32>
        %ge3A_387 = arith.cmpf oge, %get3A_385, %ge3A_386 : vector<16xf32>
        %jit3A_388 = arith.constant 1 : i32
        %jit3A_389 = arith.constant 0 : i32
        %broadcast_in_dim3A_390 = vector.broadcast %jit3A_388 : i32 to vector<16xi32>
        %broadcast_in_dim3A_391 = vector.broadcast %jit3A_389 : i32 to vector<16xi32>
        %select_n3A_392 = arith.select %ge3A_387, %broadcast_in_dim3A_390, %broadcast_in_dim3A_391 : vector<16xi1>, vector<16xi32>
        %add3A_393 = arith.addi %scan3A_340, %select_n3A_392 : vector<16xi32>
        %add3A_394 = arith.constant 64 : i32
        %add3A_395 = arith.addi %mul3A_346, %add3A_394 : i32
        %get3A_396 = arith.index_cast %add3A_395 : i32 to index
        %get3A_397 = tpu.vector_load %arg4[%get3A_396] {strides = array<i32>} : memref<32768xf32, #tpu.memory_space<vmem>>, vector<16xf32>,
        %ge3A_398 = vector.broadcast %bitcast_convert_type3A_201 : f32 to vector<16xf32>
        %ge3A_399 = arith.cmpf oge, %get3A_397, %ge3A_398 : vector<16xf32>
        %jit3A_400 = arith.constant 1 : i32
        %jit3A_401 = arith.constant 0 : i32
        %broadcast_in_dim3A_402 = vector.broadcast %jit3A_400 : i32 to vector<16xi32>
        %broadcast_in_dim3A_403 = vector.broadcast %jit3A_401 : i32 to vector<16xi32>
        %select_n3A_404 = arith.select %ge3A_399, %broadcast_in_dim3A_402, %broadcast_in_dim3A_403 : vector<16xi1>, vector<16xi32>
        %add3A_405 = arith.addi %scan3A_341, %select_n3A_404 : vector<16xi32>
        %add3A_406 = arith.constant 80 : i32
        %add3A_407 = arith.addi %mul3A_346, %add3A_406 : i32
        %get3A_408 = arith.index_cast %add3A_407 : i32 to index
        %get3A_409 = tpu.vector_load %arg4[%get3A_408] {strides = array<i32>} : memref<32768xf32, #tpu.memory_space<vmem>>, vector<16xf32>,
        %ge3A_410 = vector.broadcast %bitcast_convert_type3A_201 : f32 to vector<16xf32>
        %ge3A_411 = arith.cmpf oge, %get3A_409, %ge3A_410 : vector<16xf32>
        %jit3A_412 = arith.constant 1 : i32
        %jit3A_413 = arith.constant 0 : i32
        %broadcast_in_dim3A_414 = vector.broadcast %jit3A_412 : i32 to vector<16xi32>
        %broadcast_in_dim3A_415 = vector.broadcast %jit3A_413 : i32 to vector<16xi32>
        %select_n3A_416 = arith.select %ge3A_411, %broadcast_in_dim3A_414, %broadcast_in_dim3A_415 : vector<16xi1>, vector<16xi32>
        %add3A_417 = arith.addi %scan3A_342, %select_n3A_416 : vector<16xi32>
        %add3A_418 = arith.constant 96 : i32
        %add3A_419 = arith.addi %mul3A_346, %add3A_418 : i32
        %get3A_420 = arith.index_cast %add3A_419 : i32 to index
        %get3A_421 = tpu.vector_load %arg4[%get3A_420] {strides = array<i32>} : memref<32768xf32, #tpu.memory_space<vmem>>, vector<16xf32>,
        %ge3A_422 = vector.broadcast %bitcast_convert_type3A_201 : f32 to vector<16xf32>
        %ge3A_423 = arith.cmpf oge, %get3A_421, %ge3A_422 : vector<16xf32>
        %jit3A_424 = arith.constant 1 : i32
        %jit3A_425 = arith.constant 0 : i32
        %broadcast_in_dim3A_426 = vector.broadcast %jit3A_424 : i32 to vector<16xi32>
        %broadcast_in_dim3A_427 = vector.broadcast %jit3A_425 : i32 to vector<16xi32>
        %select_n3A_428 = arith.select %ge3A_423, %broadcast_in_dim3A_426, %broadcast_in_dim3A_427 : vector<16xi1>, vector<16xi32>
        %add3A_429 = arith.addi %scan3A_343, %select_n3A_428 : vector<16xi32>
        %add3A_430 = arith.constant 112 : i32
        %add3A_431 = arith.addi %mul3A_346, %add3A_430 : i32
        %get3A_432 = arith.index_cast %add3A_431 : i32 to index
        %get3A_433 = tpu.vector_load %arg4[%get3A_432] {strides = array<i32>} : memref<32768xf32, #tpu.memory_space<vmem>>, vector<16xf32>,
        %ge3A_434 = vector.broadcast %bitcast_convert_type3A_201 : f32 to vector<16xf32>
        %ge3A_435 = arith.cmpf oge, %get3A_433, %ge3A_434 : vector<16xf32>
        %jit3A_436 = arith.constant 1 : i32
        %jit3A_437 = arith.constant 0 : i32
        %broadcast_in_dim3A_438 = vector.broadcast %jit3A_436 : i32 to vector<16xi32>
        %broadcast_in_dim3A_439 = vector.broadcast %jit3A_437 : i32 to vector<16xi32>
        %select_n3A_440 = arith.select %ge3A_435, %broadcast_in_dim3A_438, %broadcast_in_dim3A_439 : vector<16xi1>, vector<16xi32>
        %add3A_441 = arith.addi %scan3A_344, %select_n3A_440 : vector<16xi32>
        scf.yield %add3A_357, %add3A_369, %add3A_381, %add3A_393, %add3A_405, %add3A_417, %add3A_429, %add3A_441 : vector<16xi32>, vector<16xi32>, vector<16xi32>, vector<16xi32>, vector<16xi32>, vector<16xi32>, vector<16xi32>, vector<16xi32>
      }
      %scan3A_223 = arith.constant 256 : i32
      %add3A_224 = arith.addi %scan3A_222#0, %scan3A_222#1 : vector<16xi32>
      %add3A_225 = arith.addi %add3A_224, %scan3A_222#2 : vector<16xi32>
      %add3A_226 = arith.addi %add3A_225, %scan3A_222#3 : vector<16xi32>
      %add3A_227 = arith.addi %add3A_226, %scan3A_222#4 : vector<16xi32>
      %add3A_228 = arith.addi %add3A_227, %scan3A_222#5 : vector<16xi32>
      %add3A_229 = arith.addi %add3A_228, %scan3A_222#6 : vector<16xi32>
      %add3A_230 = arith.addi %add3A_229, %scan3A_222#7 : vector<16xi32>
      %reduce_sum3A_231 = arith.constant true
      %reduce_sum3A_232 = vector.broadcast %reduce_sum3A_231 : i1 to vector<16xi1>
      %reduce_sum3A_233 = tpu.scan <sum>, %add3A_230 masked %reduce_sum3A_232 : vector<16xi32>, vector<16xi1> -> vector<16xi32>
      %reduce_sum3A_234 = vector.extract %reduce_sum3A_233[15] : i32 from vector<16xi32>
      %ge3A_235 = arith.constant 512 : i32
      %ge3A_236 = arith.cmpi sge, %reduce_sum3A_234, %ge3A_235 : i32
      %select_n3A_237 = arith.select %ge3A_236, %min3A, %while3A_159 : i32
      %select_n3A_238 = arith.select %ge3A_236, %while3A_160, %min3A : i32
      %select_n3A_239 = arith.select %ge3A_236, %reduce_sum3A_234, %while3A_161 : i32
      %select_n3A_240 = arith.select %ge3A_236, %while3A_162, %reduce_sum3A_234 : i32
      %shift_right_arithmetic3A_241 = arith.constant 1 : i32
      %shift_right_arithmetic3A_242 = arith.shrsi %select_n3A_237, %shift_right_arithmetic3A_241 : i32
      %shift_right_arithmetic3A_243 = arith.constant 1 : i32
      %shift_right_arithmetic3A_244 = arith.shrsi %select_n3A_238, %shift_right_arithmetic3A_243 : i32
      %add3A_245 = arith.addi %shift_right_arithmetic3A_242, %shift_right_arithmetic3A_244 : i32
      %and3A_246 = arith.andi %select_n3A_237, %select_n3A_238 : i32
      %and3A_247 = arith.constant 1 : i32
      %and3A_248 = arith.andi %and3A_246, %and3A_247 : i32
      %add3A_249 = arith.addi %add3A_245, %and3A_248 : i32
      %and3A_250 = arith.constant 1 : i32
      %and3A_251 = arith.andi %while3A_158, %and3A_250 : i32
      %gt3A = arith.constant 0 : i32
      %gt3A_252 = arith.cmpi sgt, %and3A_251, %gt3A : i32
      %sub3A_253 = arith.subi %select_n3A_239, %select_n3A_240 : i32
      %convert_element_type3A_254 = arith.sitofp %sub3A_253 : i32 to f32
      %max3A_255 = arith.constant 1.000000e+00 : f32
      %max3A_256 = arith.maximumf %convert_element_type3A_254, %max3A_255 : f32
      %bitcast_convert_type3A_257 = arith.bitcast %max3A_256 : f32 to i32
      %sub3A_258 = arith.constant 2129859011 : i32
      %sub3A_259 = arith.subi %sub3A_258, %bitcast_convert_type3A_257 : i32
      %bitcast_convert_type3A_260 = arith.bitcast %sub3A_259 : i32 to f32
      %mul3A_261 = arith.mulf %max3A_256, %bitcast_convert_type3A_260 : f32
      %sub3A_262 = arith.constant 2.000000e+00 : f32
      %sub3A_263 = arith.subf %sub3A_262, %mul3A_261 : f32
      %mul3A_264 = arith.mulf %bitcast_convert_type3A_260, %sub3A_263 : f32
      %mul3A_265 = arith.mulf %max3A_256, %mul3A_264 : f32
      %sub3A_266 = arith.constant 2.000000e+00 : f32
      %sub3A_267 = arith.subf %sub3A_266, %mul3A_265 : f32
      %mul3A_268 = arith.mulf %mul3A_264, %sub3A_267 : f32
      %mul3A_269 = arith.mulf %max3A_256, %mul3A_268 : f32
      %sub3A_270 = arith.constant 2.000000e+00 : f32
      %sub3A_271 = arith.subf %sub3A_270, %mul3A_269 : f32
      %mul3A_272 = arith.mulf %mul3A_268, %sub3A_271 : f32
      %sub3A_273 = arith.constant 512 : i32
      %sub3A_274 = arith.subi %select_n3A_239, %sub3A_273 : i32
      %convert_element_type3A_275 = arith.sitofp %sub3A_274 : i32 to f32
      %mul3A_276 = arith.mulf %convert_element_type3A_275, %mul3A_272 : f32
      %sub3A_277 = arith.subi %select_n3A_238, %select_n3A_237 : i32
      %convert_element_type3A_278 = arith.sitofp %sub3A_277 : i32 to f32
      %mul3A_279 = arith.mulf %mul3A_276, %convert_element_type3A_278 : f32
      %convert_element_type3A_280 = arith.fptosi %mul3A_279 : f32 to i32
      %add3A_281 = arith.addi %select_n3A_237, %convert_element_type3A_280 : i32
      %select_n3A_282 = arith.select %gt3A_252, %add3A_249, %add3A_281 : i32
      %add3A_283 = arith.constant 1 : i32
      %add3A_284 = arith.addi %select_n3A_237, %add3A_283 : i32
      %sub3A_285 = arith.constant 1 : i32
      %sub3A_286 = arith.subi %select_n3A_238, %sub3A_285 : i32
      %max3A_287 = arith.maxsi %add3A_284, %select_n3A_282 : i32
      %min3A_288 = arith.minsi %sub3A_286, %max3A_287 : i32
      %lt3A_289 = arith.constant 0 : i32
      %lt3A_290 = arith.cmpi slt, %min3A_288, %lt3A_289 : i32
      %xor3A_291 = arith.constant 2147483647 : i32
      %xor3A_292 = arith.xori %min3A_288, %xor3A_291 : i32
      %select_n3A_293 = arith.select %lt3A_290, %xor3A_292, %min3A_288 : i32
      %bitcast_convert_type3A_294 = arith.bitcast %select_n3A_293 : i32 to f32
      %broadcast_in_dim3A_295 = arith.constant 0 : i32
      %broadcast_in_dim3A_296 = vector.broadcast %broadcast_in_dim3A_295 : i32 to vector<16xi32>
      %broadcast_in_dim3A_297 = arith.constant 0 : i32
      %broadcast_in_dim3A_298 = vector.broadcast %broadcast_in_dim3A_297 : i32 to vector<16xi32>
      %broadcast_in_dim3A_299 = arith.constant 0 : i32
      %broadcast_in_dim3A_300 = vector.broadcast %broadcast_in_dim3A_299 : i32 to vector<16xi32>
      %broadcast_in_dim3A_301 = arith.constant 0 : i32
      %broadcast_in_dim3A_302 = vector.broadcast %broadcast_in_dim3A_301 : i32 to vector<16xi32>
      %broadcast_in_dim3A_303 = arith.constant 0 : i32
      %broadcast_in_dim3A_304 = vector.broadcast %broadcast_in_dim3A_303 : i32 to vector<16xi32>
      %broadcast_in_dim3A_305 = arith.constant 0 : i32
      %broadcast_in_dim3A_306 = vector.broadcast %broadcast_in_dim3A_305 : i32 to vector<16xi32>
      %broadcast_in_dim3A_307 = arith.constant 0 : i32
      %broadcast_in_dim3A_308 = vector.broadcast %broadcast_in_dim3A_307 : i32 to vector<16xi32>
      %broadcast_in_dim3A_309 = arith.constant 0 : i32
      %broadcast_in_dim3A_310 = vector.broadcast %broadcast_in_dim3A_309 : i32 to vector<16xi32>
      %scan3A_311 = arith.constant 0 : i32
      %scan3A_312 = arith.constant 256 : i32
      %scan3A_313 = arith.addi %scan3A_311, %scan3A_312 : i32
      %scan3A_314 = arith.constant 1 : i32
      %scan3A_315:8 = scf.for %scan3A_336 = %scan3A_311 to %scan3A_313 step %scan3A_314 iter_args(%scan3A_337 = %broadcast_in_dim3A_296, %scan3A_338 = %broadcast_in_dim3A_298, %scan3A_339 = %broadcast_in_dim3A_300, %scan3A_340 = %broadcast_in_dim3A_302, %scan3A_341 = %broadcast_in_dim3A_304, %scan3A_342 = %broadcast_in_dim3A_306, %scan3A_343 = %broadcast_in_dim3A_308, %scan3A_344 = %broadcast_in_dim3A_310) -> (vector<16xi32>, vector<16xi32>, vector<16xi32>, vector<16xi32>, vector<16xi32>, vector<16xi32>, vector<16xi32>, vector<16xi32>)  : i32 {
        %mul3A_345 = arith.constant 128 : i32
        %mul3A_346 = arith.muli %scan3A_336, %mul3A_345 : i32
        %add3A_347 = arith.constant 0 : i32
        %add3A_348 = arith.addi %mul3A_346, %add3A_347 : i32
        %get3A = arith.index_cast %add3A_348 : i32 to index
        %get3A_349 = tpu.vector_load %arg4[%get3A] {strides = array<i32>} : memref<32768xf32, #tpu.memory_space<vmem>>, vector<16xf32>,
        %ge3A_350 = vector.broadcast %bitcast_convert_type3A_294 : f32 to vector<16xf32>
        %ge3A_351 = arith.cmpf oge, %get3A_349, %ge3A_350 : vector<16xf32>
        %jit3A_352 = arith.constant 1 : i32
        %jit3A_353 = arith.constant 0 : i32
        %broadcast_in_dim3A_354 = vector.broadcast %jit3A_352 : i32 to vector<16xi32>
        %broadcast_in_dim3A_355 = vector.broadcast %jit3A_353 : i32 to vector<16xi32>
        %select_n3A_356 = arith.select %ge3A_351, %broadcast_in_dim3A_354, %broadcast_in_dim3A_355 : vector<16xi1>, vector<16xi32>
        %add3A_357 = arith.addi %scan3A_337, %select_n3A_356 : vector<16xi32>
        %add3A_358 = arith.constant 16 : i32
        %add3A_359 = arith.addi %mul3A_346, %add3A_358 : i32
        %get3A_360 = arith.index_cast %add3A_359 : i32 to index
        %get3A_361 = tpu.vector_load %arg4[%get3A_360] {strides = array<i32>} : memref<32768xf32, #tpu.memory_space<vmem>>, vector<16xf32>,
        %ge3A_362 = vector.broadcast %bitcast_convert_type3A_294 : f32 to vector<16xf32>
        %ge3A_363 = arith.cmpf oge, %get3A_361, %ge3A_362 : vector<16xf32>
        %jit3A_364 = arith.constant 1 : i32
        %jit3A_365 = arith.constant 0 : i32
        %broadcast_in_dim3A_366 = vector.broadcast %jit3A_364 : i32 to vector<16xi32>
        %broadcast_in_dim3A_367 = vector.broadcast %jit3A_365 : i32 to vector<16xi32>
        %select_n3A_368 = arith.select %ge3A_363, %broadcast_in_dim3A_366, %broadcast_in_dim3A_367 : vector<16xi1>, vector<16xi32>
        %add3A_369 = arith.addi %scan3A_338, %select_n3A_368 : vector<16xi32>
        %add3A_370 = arith.constant 32 : i32
        %add3A_371 = arith.addi %mul3A_346, %add3A_370 : i32
        %get3A_372 = arith.index_cast %add3A_371 : i32 to index
        %get3A_373 = tpu.vector_load %arg4[%get3A_372] {strides = array<i32>} : memref<32768xf32, #tpu.memory_space<vmem>>, vector<16xf32>,
        %ge3A_374 = vector.broadcast %bitcast_convert_type3A_294 : f32 to vector<16xf32>
        %ge3A_375 = arith.cmpf oge, %get3A_373, %ge3A_374 : vector<16xf32>
        %jit3A_376 = arith.constant 1 : i32
        %jit3A_377 = arith.constant 0 : i32
        %broadcast_in_dim3A_378 = vector.broadcast %jit3A_376 : i32 to vector<16xi32>
        %broadcast_in_dim3A_379 = vector.broadcast %jit3A_377 : i32 to vector<16xi32>
        %select_n3A_380 = arith.select %ge3A_375, %broadcast_in_dim3A_378, %broadcast_in_dim3A_379 : vector<16xi1>, vector<16xi32>
        %add3A_381 = arith.addi %scan3A_339, %select_n3A_380 : vector<16xi32>
        %add3A_382 = arith.constant 48 : i32
        %add3A_383 = arith.addi %mul3A_346, %add3A_382 : i32
        %get3A_384 = arith.index_cast %add3A_383 : i32 to index
        %get3A_385 = tpu.vector_load %arg4[%get3A_384] {strides = array<i32>} : memref<32768xf32, #tpu.memory_space<vmem>>, vector<16xf32>,
        %ge3A_386 = vector.broadcast %bitcast_convert_type3A_294 : f32 to vector<16xf32>
        %ge3A_387 = arith.cmpf oge, %get3A_385, %ge3A_386 : vector<16xf32>
        %jit3A_388 = arith.constant 1 : i32
        %jit3A_389 = arith.constant 0 : i32
        %broadcast_in_dim3A_390 = vector.broadcast %jit3A_388 : i32 to vector<16xi32>
        %broadcast_in_dim3A_391 = vector.broadcast %jit3A_389 : i32 to vector<16xi32>
        %select_n3A_392 = arith.select %ge3A_387, %broadcast_in_dim3A_390, %broadcast_in_dim3A_391 : vector<16xi1>, vector<16xi32>
        %add3A_393 = arith.addi %scan3A_340, %select_n3A_392 : vector<16xi32>
        %add3A_394 = arith.constant 64 : i32
        %add3A_395 = arith.addi %mul3A_346, %add3A_394 : i32
        %get3A_396 = arith.index_cast %add3A_395 : i32 to index
        %get3A_397 = tpu.vector_load %arg4[%get3A_396] {strides = array<i32>} : memref<32768xf32, #tpu.memory_space<vmem>>, vector<16xf32>,
        %ge3A_398 = vector.broadcast %bitcast_convert_type3A_294 : f32 to vector<16xf32>
        %ge3A_399 = arith.cmpf oge, %get3A_397, %ge3A_398 : vector<16xf32>
        %jit3A_400 = arith.constant 1 : i32
        %jit3A_401 = arith.constant 0 : i32
        %broadcast_in_dim3A_402 = vector.broadcast %jit3A_400 : i32 to vector<16xi32>
        %broadcast_in_dim3A_403 = vector.broadcast %jit3A_401 : i32 to vector<16xi32>
        %select_n3A_404 = arith.select %ge3A_399, %broadcast_in_dim3A_402, %broadcast_in_dim3A_403 : vector<16xi1>, vector<16xi32>
        %add3A_405 = arith.addi %scan3A_341, %select_n3A_404 : vector<16xi32>
        %add3A_406 = arith.constant 80 : i32
        %add3A_407 = arith.addi %mul3A_346, %add3A_406 : i32
        %get3A_408 = arith.index_cast %add3A_407 : i32 to index
        %get3A_409 = tpu.vector_load %arg4[%get3A_408] {strides = array<i32>} : memref<32768xf32, #tpu.memory_space<vmem>>, vector<16xf32>,
        %ge3A_410 = vector.broadcast %bitcast_convert_type3A_294 : f32 to vector<16xf32>
        %ge3A_411 = arith.cmpf oge, %get3A_409, %ge3A_410 : vector<16xf32>
        %jit3A_412 = arith.constant 1 : i32
        %jit3A_413 = arith.constant 0 : i32
        %broadcast_in_dim3A_414 = vector.broadcast %jit3A_412 : i32 to vector<16xi32>
        %broadcast_in_dim3A_415 = vector.broadcast %jit3A_413 : i32 to vector<16xi32>
        %select_n3A_416 = arith.select %ge3A_411, %broadcast_in_dim3A_414, %broadcast_in_dim3A_415 : vector<16xi1>, vector<16xi32>
        %add3A_417 = arith.addi %scan3A_342, %select_n3A_416 : vector<16xi32>
        %add3A_418 = arith.constant 96 : i32
        %add3A_419 = arith.addi %mul3A_346, %add3A_418 : i32
        %get3A_420 = arith.index_cast %add3A_419 : i32 to index
        %get3A_421 = tpu.vector_load %arg4[%get3A_420] {strides = array<i32>} : memref<32768xf32, #tpu.memory_space<vmem>>, vector<16xf32>,
        %ge3A_422 = vector.broadcast %bitcast_convert_type3A_294 : f32 to vector<16xf32>
        %ge3A_423 = arith.cmpf oge, %get3A_421, %ge3A_422 : vector<16xf32>
        %jit3A_424 = arith.constant 1 : i32
        %jit3A_425 = arith.constant 0 : i32
        %broadcast_in_dim3A_426 = vector.broadcast %jit3A_424 : i32 to vector<16xi32>
        %broadcast_in_dim3A_427 = vector.broadcast %jit3A_425 : i32 to vector<16xi32>
        %select_n3A_428 = arith.select %ge3A_423, %broadcast_in_dim3A_426, %broadcast_in_dim3A_427 : vector<16xi1>, vector<16xi32>
        %add3A_429 = arith.addi %scan3A_343, %select_n3A_428 : vector<16xi32>
        %add3A_430 = arith.constant 112 : i32
        %add3A_431 = arith.addi %mul3A_346, %add3A_430 : i32
        %get3A_432 = arith.index_cast %add3A_431 : i32 to index
        %get3A_433 = tpu.vector_load %arg4[%get3A_432] {strides = array<i32>} : memref<32768xf32, #tpu.memory_space<vmem>>, vector<16xf32>,
        %ge3A_434 = vector.broadcast %bitcast_convert_type3A_294 : f32 to vector<16xf32>
        %ge3A_435 = arith.cmpf oge, %get3A_433, %ge3A_434 : vector<16xf32>
        %jit3A_436 = arith.constant 1 : i32
        %jit3A_437 = arith.constant 0 : i32
        %broadcast_in_dim3A_438 = vector.broadcast %jit3A_436 : i32 to vector<16xi32>
        %broadcast_in_dim3A_439 = vector.broadcast %jit3A_437 : i32 to vector<16xi32>
        %select_n3A_440 = arith.select %ge3A_435, %broadcast_in_dim3A_438, %broadcast_in_dim3A_439 : vector<16xi1>, vector<16xi32>
        %add3A_441 = arith.addi %scan3A_344, %select_n3A_440 : vector<16xi32>
        scf.yield %add3A_357, %add3A_369, %add3A_381, %add3A_393, %add3A_405, %add3A_417, %add3A_429, %add3A_441 : vector<16xi32>, vector<16xi32>, vector<16xi32>, vector<16xi32>, vector<16xi32>, vector<16xi32>, vector<16xi32>, vector<16xi32>
      }
      %scan3A_316 = arith.constant 256 : i32
      %add3A_317 = arith.addi %scan3A_315#0, %scan3A_315#1 : vector<16xi32>
      %add3A_318 = arith.addi %add3A_317, %scan3A_315#2 : vector<16xi32>
      %add3A_319 = arith.addi %add3A_318, %scan3A_315#3 : vector<16xi32>
      %add3A_320 = arith.addi %add3A_319, %scan3A_315#4 : vector<16xi32>
      %add3A_321 = arith.addi %add3A_320, %scan3A_315#5 : vector<16xi32>
      %add3A_322 = arith.addi %add3A_321, %scan3A_315#6 : vector<16xi32>
      %add3A_323 = arith.addi %add3A_322, %scan3A_315#7 : vector<16xi32>
      %reduce_sum3A_324 = arith.constant true
      %reduce_sum3A_325 = vector.broadcast %reduce_sum3A_324 : i1 to vector<16xi1>
      %reduce_sum3A_326 = tpu.scan <sum>, %add3A_323 masked %reduce_sum3A_325 : vector<16xi32>, vector<16xi1> -> vector<16xi32>
      %reduce_sum3A_327 = vector.extract %reduce_sum3A_326[15] : i32 from vector<16xi32>
      %ge3A_328 = arith.constant 512 : i32
      %ge3A_329 = arith.cmpi sge, %reduce_sum3A_327, %ge3A_328 : i32
      %select_n3A_330 = arith.select %ge3A_329, %min3A_288, %select_n3A_237 : i32
      %select_n3A_331 = arith.select %ge3A_329, %select_n3A_238, %min3A_288 : i32
      %select_n3A_332 = arith.select %ge3A_329, %reduce_sum3A_327, %select_n3A_239 : i32
      %select_n3A_333 = arith.select %ge3A_329, %select_n3A_240, %reduce_sum3A_327 : i32
      %add3A_334 = arith.constant 1 : i32
      %add3A_335 = arith.addi %while3A_158, %add3A_334 : i32
      scf.yield %add3A_335, %select_n3A_330, %select_n3A_331, %select_n3A_332, %select_n3A_333 : i32, i32, i32, i32, i32
    }
    %max3A_143 = arith.constant 1 : i32
    %max3A_144 = arith.maxsi %while3A_142#1, %max3A_143 : i32
    %lt3A_145 = arith.constant 0 : i32
    %lt3A_146 = arith.cmpi slt, %max3A_144, %lt3A_145 : i32
    %xor3A_147 = arith.constant 2147483647 : i32
    %xor3A_148 = arith.xori %max3A_144, %xor3A_147 : i32
    %select_n3A_149 = arith.select %lt3A_146, %xor3A_148, %max3A_144 : i32
    %bitcast_convert_type3A_150 = arith.bitcast %select_n3A_149 : i32 to f32
    %scan3A_151 = arith.constant 0 : i32
    %scan3A_152 = arith.constant 0 : i32
    %scan3A_153 = arith.constant 256 : i32
    %scan3A_154 = arith.addi %scan3A_152, %scan3A_153 : i32
    %scan3A_155 = arith.constant 1 : i32
    %scan3A_156 = scf.for %scan3A_158 = %scan3A_152 to %scan3A_154 step %scan3A_155 iter_args(%scan3A_159 = %scan3A_151) -> (i32)  : i32 {
      %mul3A_160 = arith.constant 128 : i32
      %mul3A_161 = arith.muli %scan3A_158, %mul3A_160 : i32
      %add3A_162 = arith.constant 0 : i32
      %add3A_163 = arith.addi %mul3A_161, %add3A_162 : i32
      %get3A = arith.index_cast %add3A_163 : i32 to index
      %get3A_164 = tpu.vector_load %arg4[%get3A] {strides = array<i32>} : memref<32768xf32, #tpu.memory_space<vmem>>, vector<16xf32>,
      %ge3A_165 = vector.broadcast %bitcast_convert_type3A_150 : f32 to vector<16xf32>
      %ge3A_166 = arith.cmpf oge, %get3A_164, %ge3A_165 : vector<16xf32>
      %jit3A_167 = arith.constant 0.000000e+00 : f32
      %broadcast_in_dim3A_168 = vector.broadcast %jit3A_167 : f32 to vector<16xf32>
      %select_n3A_169 = arith.select %ge3A_166, %get3A_164, %broadcast_in_dim3A_168 : vector<16xi1>, vector<16xf32>
      %add3A_170 = arith.constant 0 : i32
      %add3A_171 = arith.addi %mul3A_161, %add3A_170 : i32
      %swap3A = arith.index_cast %add3A_171 : i32 to index
      %swap3A_172 = tpu.vector_load %arg5[%swap3A] {strides = array<i32>} : memref<32768xf32, #tpu.memory_space<vmem>>, vector<16xf32>,
      tpu.vector_store %arg5[%swap3A], %select_n3A_169 {strides = array<i32>} : memref<32768xf32, #tpu.memory_space<vmem>>, vector<16xf32>,
      %add3A_173 = arith.constant 16 : i32
      %add3A_174 = arith.addi %mul3A_161, %add3A_173 : i32
      %get3A_175 = arith.index_cast %add3A_174 : i32 to index
      %get3A_176 = tpu.vector_load %arg4[%get3A_175] {strides = array<i32>} : memref<32768xf32, #tpu.memory_space<vmem>>, vector<16xf32>,
      %ge3A_177 = vector.broadcast %bitcast_convert_type3A_150 : f32 to vector<16xf32>
      %ge3A_178 = arith.cmpf oge, %get3A_176, %ge3A_177 : vector<16xf32>
      %jit3A_179 = arith.constant 0.000000e+00 : f32
      %broadcast_in_dim3A_180 = vector.broadcast %jit3A_179 : f32 to vector<16xf32>
      %select_n3A_181 = arith.select %ge3A_178, %get3A_176, %broadcast_in_dim3A_180 : vector<16xi1>, vector<16xf32>
      %add3A_182 = arith.constant 16 : i32
      %add3A_183 = arith.addi %mul3A_161, %add3A_182 : i32
      %swap3A_184 = arith.index_cast %add3A_183 : i32 to index
      %swap3A_185 = tpu.vector_load %arg5[%swap3A_184] {strides = array<i32>} : memref<32768xf32, #tpu.memory_space<vmem>>, vector<16xf32>,
      tpu.vector_store %arg5[%swap3A_184], %select_n3A_181 {strides = array<i32>} : memref<32768xf32, #tpu.memory_space<vmem>>, vector<16xf32>,
      %add3A_186 = arith.constant 32 : i32
      %add3A_187 = arith.addi %mul3A_161, %add3A_186 : i32
      %get3A_188 = arith.index_cast %add3A_187 : i32 to index
      %get3A_189 = tpu.vector_load %arg4[%get3A_188] {strides = array<i32>} : memref<32768xf32, #tpu.memory_space<vmem>>, vector<16xf32>,
      %ge3A_190 = vector.broadcast %bitcast_convert_type3A_150 : f32 to vector<16xf32>
      %ge3A_191 = arith.cmpf oge, %get3A_189, %ge3A_190 : vector<16xf32>
      %jit3A_192 = arith.constant 0.000000e+00 : f32
      %broadcast_in_dim3A_193 = vector.broadcast %jit3A_192 : f32 to vector<16xf32>
      %select_n3A_194 = arith.select %ge3A_191, %get3A_189, %broadcast_in_dim3A_193 : vector<16xi1>, vector<16xf32>
      %add3A_195 = arith.constant 32 : i32
      %add3A_196 = arith.addi %mul3A_161, %add3A_195 : i32
      %swap3A_197 = arith.index_cast %add3A_196 : i32 to index
      %swap3A_198 = tpu.vector_load %arg5[%swap3A_197] {strides = array<i32>} : memref<32768xf32, #tpu.memory_space<vmem>>, vector<16xf32>,
      tpu.vector_store %arg5[%swap3A_197], %select_n3A_194 {strides = array<i32>} : memref<32768xf32, #tpu.memory_space<vmem>>, vector<16xf32>,
      %add3A_199 = arith.constant 48 : i32
      %add3A_200 = arith.addi %mul3A_161, %add3A_199 : i32
      %get3A_201 = arith.index_cast %add3A_200 : i32 to index
      %get3A_202 = tpu.vector_load %arg4[%get3A_201] {strides = array<i32>} : memref<32768xf32, #tpu.memory_space<vmem>>, vector<16xf32>,
      %ge3A_203 = vector.broadcast %bitcast_convert_type3A_150 : f32 to vector<16xf32>
      %ge3A_204 = arith.cmpf oge, %get3A_202, %ge3A_203 : vector<16xf32>
      %jit3A_205 = arith.constant 0.000000e+00 : f32
      %broadcast_in_dim3A_206 = vector.broadcast %jit3A_205 : f32 to vector<16xf32>
      %select_n3A_207 = arith.select %ge3A_204, %get3A_202, %broadcast_in_dim3A_206 : vector<16xi1>, vector<16xf32>
      %add3A_208 = arith.constant 48 : i32
      %add3A_209 = arith.addi %mul3A_161, %add3A_208 : i32
      %swap3A_210 = arith.index_cast %add3A_209 : i32 to index
      %swap3A_211 = tpu.vector_load %arg5[%swap3A_210] {strides = array<i32>} : memref<32768xf32, #tpu.memory_space<vmem>>, vector<16xf32>,
      tpu.vector_store %arg5[%swap3A_210], %select_n3A_207 {strides = array<i32>} : memref<32768xf32, #tpu.memory_space<vmem>>, vector<16xf32>,
      %add3A_212 = arith.constant 64 : i32
      %add3A_213 = arith.addi %mul3A_161, %add3A_212 : i32
      %get3A_214 = arith.index_cast %add3A_213 : i32 to index
      %get3A_215 = tpu.vector_load %arg4[%get3A_214] {strides = array<i32>} : memref<32768xf32, #tpu.memory_space<vmem>>, vector<16xf32>,
      %ge3A_216 = vector.broadcast %bitcast_convert_type3A_150 : f32 to vector<16xf32>
      %ge3A_217 = arith.cmpf oge, %get3A_215, %ge3A_216 : vector<16xf32>
      %jit3A_218 = arith.constant 0.000000e+00 : f32
      %broadcast_in_dim3A_219 = vector.broadcast %jit3A_218 : f32 to vector<16xf32>
      %select_n3A_220 = arith.select %ge3A_217, %get3A_215, %broadcast_in_dim3A_219 : vector<16xi1>, vector<16xf32>
      %add3A_221 = arith.constant 64 : i32
      %add3A_222 = arith.addi %mul3A_161, %add3A_221 : i32
      %swap3A_223 = arith.index_cast %add3A_222 : i32 to index
      %swap3A_224 = tpu.vector_load %arg5[%swap3A_223] {strides = array<i32>} : memref<32768xf32, #tpu.memory_space<vmem>>, vector<16xf32>,
      tpu.vector_store %arg5[%swap3A_223], %select_n3A_220 {strides = array<i32>} : memref<32768xf32, #tpu.memory_space<vmem>>, vector<16xf32>,
      %add3A_225 = arith.constant 80 : i32
      %add3A_226 = arith.addi %mul3A_161, %add3A_225 : i32
      %get3A_227 = arith.index_cast %add3A_226 : i32 to index
      %get3A_228 = tpu.vector_load %arg4[%get3A_227] {strides = array<i32>} : memref<32768xf32, #tpu.memory_space<vmem>>, vector<16xf32>,
      %ge3A_229 = vector.broadcast %bitcast_convert_type3A_150 : f32 to vector<16xf32>
      %ge3A_230 = arith.cmpf oge, %get3A_228, %ge3A_229 : vector<16xf32>
      %jit3A_231 = arith.constant 0.000000e+00 : f32
      %broadcast_in_dim3A_232 = vector.broadcast %jit3A_231 : f32 to vector<16xf32>
      %select_n3A_233 = arith.select %ge3A_230, %get3A_228, %broadcast_in_dim3A_232 : vector<16xi1>, vector<16xf32>
      %add3A_234 = arith.constant 80 : i32
      %add3A_235 = arith.addi %mul3A_161, %add3A_234 : i32
      %swap3A_236 = arith.index_cast %add3A_235 : i32 to index
      %swap3A_237 = tpu.vector_load %arg5[%swap3A_236] {strides = array<i32>} : memref<32768xf32, #tpu.memory_space<vmem>>, vector<16xf32>,
      tpu.vector_store %arg5[%swap3A_236], %select_n3A_233 {strides = array<i32>} : memref<32768xf32, #tpu.memory_space<vmem>>, vector<16xf32>,
      %add3A_238 = arith.constant 96 : i32
      %add3A_239 = arith.addi %mul3A_161, %add3A_238 : i32
      %get3A_240 = arith.index_cast %add3A_239 : i32 to index
      %get3A_241 = tpu.vector_load %arg4[%get3A_240] {strides = array<i32>} : memref<32768xf32, #tpu.memory_space<vmem>>, vector<16xf32>,
      %ge3A_242 = vector.broadcast %bitcast_convert_type3A_150 : f32 to vector<16xf32>
      %ge3A_243 = arith.cmpf oge, %get3A_241, %ge3A_242 : vector<16xf32>
      %jit3A_244 = arith.constant 0.000000e+00 : f32
      %broadcast_in_dim3A_245 = vector.broadcast %jit3A_244 : f32 to vector<16xf32>
      %select_n3A_246 = arith.select %ge3A_243, %get3A_241, %broadcast_in_dim3A_245 : vector<16xi1>, vector<16xf32>
      %add3A_247 = arith.constant 96 : i32
      %add3A_248 = arith.addi %mul3A_161, %add3A_247 : i32
      %swap3A_249 = arith.index_cast %add3A_248 : i32 to index
      %swap3A_250 = tpu.vector_load %arg5[%swap3A_249] {strides = array<i32>} : memref<32768xf32, #tpu.memory_space<vmem>>, vector<16xf32>,
      tpu.vector_store %arg5[%swap3A_249], %select_n3A_246 {strides = array<i32>} : memref<32768xf32, #tpu.memory_space<vmem>>, vector<16xf32>,
      %add3A_251 = arith.constant 112 : i32
      %add3A_252 = arith.addi %mul3A_161, %add3A_251 : i32
      %get3A_253 = arith.index_cast %add3A_252 : i32 to index
      %get3A_254 = tpu.vector_load %arg4[%get3A_253] {strides = array<i32>} : memref<32768xf32, #tpu.memory_space<vmem>>, vector<16xf32>,
      %ge3A_255 = vector.broadcast %bitcast_convert_type3A_150 : f32 to vector<16xf32>
      %ge3A_256 = arith.cmpf oge, %get3A_254, %ge3A_255 : vector<16xf32>
      %jit3A_257 = arith.constant 0.000000e+00 : f32
      %broadcast_in_dim3A_258 = vector.broadcast %jit3A_257 : f32 to vector<16xf32>
      %select_n3A_259 = arith.select %ge3A_256, %get3A_254, %broadcast_in_dim3A_258 : vector<16xi1>, vector<16xf32>
      %add3A_260 = arith.constant 112 : i32
      %add3A_261 = arith.addi %mul3A_161, %add3A_260 : i32
      %swap3A_262 = arith.index_cast %add3A_261 : i32 to index
      %swap3A_263 = tpu.vector_load %arg5[%swap3A_262] {strides = array<i32>} : memref<32768xf32, #tpu.memory_space<vmem>>, vector<16xf32>,
      tpu.vector_store %arg5[%swap3A_262], %select_n3A_259 {strides = array<i32>} : memref<32768xf32, #tpu.memory_space<vmem>>, vector<16xf32>,
      %scan3A_264 = arith.constant 0 : i32
      scf.yield %scan3A_264 : i32
    }
    %scan3A_157 = arith.constant 256 : i32
    "tpu.region"() ({
      %run_scoped3A = tpu.sem_alloc : memref<!tpu.dma_semaphore, #tpu.memory_space<semaphore_mem>>
      %dma_start3A = arith.constant 0 : i32
      %dma_start3A_158 = tpu.memref_slice %arg3[%add3A, %dma_start3A] : memref<32x32768xf32, #tpu.memory_space<hbm>> -> memref<1x32768xf32, #tpu.memory_space<hbm>>
      %dma_start3A_159 = tpu.memref_squeeze %dma_start3A_158 : memref<1x32768xf32, #tpu.memory_space<hbm>> -> memref<32768xf32, #tpu.memory_space<hbm>>
      %dma_start3A_160 = arith.constant 0 : i32
      %dma_start3A_161 = tpu.memref_slice %arg3[%add3A, %dma_start3A_160] : memref<32x32768xf32, #tpu.memory_space<hbm>> -> memref<1x32768xf32, #tpu.memory_space<hbm>>
      %dma_start3A_162 = tpu.memref_squeeze %dma_start3A_161 : memref<1x32768xf32, #tpu.memory_space<hbm>> -> memref<32768xf32, #tpu.memory_space<hbm>>
      tpu.enqueue_dma source(%arg5 : memref<32768xf32, #tpu.memory_space<vmem>>) target(%dma_start3A_162 : memref<32768xf32, #tpu.memory_space<hbm>>) target_semaphore(%run_scoped3A : memref<!tpu.dma_semaphore, #tpu.memory_space<semaphore_mem>>)
      %dma_wait3A = arith.constant 0 : i32
      %dma_wait3A_163 = tpu.memref_slice %arg3[%add3A, %dma_wait3A] : memref<32x32768xf32, #tpu.memory_space<hbm>> -> memref<1x32768xf32, #tpu.memory_space<hbm>>
      %dma_wait3A_164 = tpu.memref_squeeze %dma_wait3A_163 : memref<1x32768xf32, #tpu.memory_space<hbm>> -> memref<32768xf32, #tpu.memory_space<hbm>>
      %dma_wait3A_165 = arith.constant 0 : i32
      %dma_wait3A_166 = tpu.memref_slice %arg3[%add3A, %dma_wait3A_165] : memref<32x32768xf32, #tpu.memory_space<hbm>> -> memref<1x32768xf32, #tpu.memory_space<hbm>>
      %dma_wait3A_167 = tpu.memref_squeeze %dma_wait3A_166 : memref<1x32768xf32, #tpu.memory_space<hbm>> -> memref<32768xf32, #tpu.memory_space<hbm>>
      tpu.wait_dma2 semaphore(%run_scoped3A : memref<!tpu.dma_semaphore, #tpu.memory_space<semaphore_mem>>) src(%arg5 : memref<32768xf32, #tpu.memory_space<vmem>>) dst(%dma_wait3A_167 : memref<32768xf32, #tpu.memory_space<hbm>>)
      tpu.yield
    }) : () -> ()
    return
  }
}

module attributes {stable_mosaic.version = 14 : i64} {
  func.func @_topk_mask_kernel(%arg0: i32, %arg1: memref<32x32768xf32, #tpu.memory_space<vmem>>, %arg2: memref<32x32768xf32, #tpu.memory_space<vmem>>) attributes {dimension_semantics = [#tpu.dimension_semantics<arbitrary>], iteration_bounds = array<i64: 3>, scalar_prefetch = 0 : i64, scratch_operands = 0 : i64, tpu.core_type = #tpu.core_type<tc>, window_params = [{transform_indices = @transform_0, window_bounds = array<i64: 32, 32768>}, {transform_indices = @transform_1, window_bounds = array<i64: 32, 32768>}]} {
    %get3A = arith.constant 0 : index
    %get3A_0 = arith.constant 0 : index
    %get3A_1 = vector.load %arg1[%get3A, %get3A_0] : memref<32x32768xf32, #tpu.memory_space<vmem>>, vector<32x32768xf32>
    %slice3A = vector.extract_strided_slice %get3A_1 {offsets = [0, 0], sizes = [32, 4096], strides = [1, 1]} : vector<32x32768xf32> to vector<32x4096xf32>
    %reduce_sum3A = arith.constant dense<0.000000e+00> : vector<32xf32>
    %reduce_sum3A_2 = vector.multi_reduction <add>, %slice3A, %reduce_sum3A [1] : vector<32x4096xf32> to vector<32xf32>
    %broadcast_in_dim3A = vector.shape_cast %reduce_sum3A_2 : vector<32xf32> to vector<32x1xf32>
    %mul3A = arith.constant 2.44140625E-4 : f32
    %mul3A_3 = vector.broadcast %mul3A : f32 to vector<32x1xf32>
    %mul3A_4 = arith.mulf %broadcast_in_dim3A, %mul3A_3 : vector<32x1xf32>
    %mul3A_5 = arith.mulf %slice3A, %slice3A : vector<32x4096xf32>
    %reduce_sum3A_6 = arith.constant dense<0.000000e+00> : vector<32xf32>
    %reduce_sum3A_7 = vector.multi_reduction <add>, %mul3A_5, %reduce_sum3A_6 [1] : vector<32x4096xf32> to vector<32xf32>
    %broadcast_in_dim3A_8 = vector.shape_cast %reduce_sum3A_7 : vector<32xf32> to vector<32x1xf32>
    %mul3A_9 = arith.constant 2.44140625E-4 : f32
    %mul3A_10 = vector.broadcast %mul3A_9 : f32 to vector<32x1xf32>
    %mul3A_11 = arith.mulf %broadcast_in_dim3A_8, %mul3A_10 : vector<32x1xf32>
    %mul3A_12 = arith.mulf %mul3A_4, %mul3A_4 : vector<32x1xf32>
    %sub3A = arith.subf %mul3A_11, %mul3A_12 : vector<32x1xf32>
    %max3A = arith.constant 0.000000e+00 : f32
    %max3A_13 = vector.broadcast %max3A : f32 to vector<32x1xf32>
    %max3A_14 = arith.maximumf %sub3A, %max3A_13 : vector<32x1xf32>
    %sqrt3A = math.sqrt %max3A_14 : vector<32x1xf32>
    %mul3A_15 = arith.constant 2.15387464 : f32
    %mul3A_16 = vector.broadcast %mul3A_15 : f32 to vector<32x1xf32>
    %mul3A_17 = arith.mulf %mul3A_16, %sqrt3A : vector<32x1xf32>
    %add3A = arith.addf %mul3A_4, %mul3A_17 : vector<32x1xf32>
    %sub3A_18 = arith.constant 3.500000e-01 : f32
    %sub3A_19 = vector.broadcast %sub3A_18 : f32 to vector<32x1xf32>
    %sub3A_20 = arith.subf %add3A, %sub3A_19 : vector<32x1xf32>
    %add3A_21 = arith.constant 3.500000e-01 : f32
    %add3A_22 = vector.broadcast %add3A_21 : f32 to vector<32x1xf32>
    %add3A_23 = arith.addf %add3A, %add3A_22 : vector<32x1xf32>
    %slice3A_24 = vector.extract_strided_slice %get3A_1 {offsets = [0, 0], sizes = [32, 4096], strides = [1, 1]} : vector<32x32768xf32> to vector<32x4096xf32>
    %ge3A = vector.broadcast %sub3A_20 : vector<32x1xf32> to vector<32x4096xf32>
    %ge3A_25 = arith.cmpf oge, %slice3A_24, %ge3A : vector<32x4096xf32>
    %convert_element_type3A = arith.extui %ge3A_25 : vector<32x4096xi1> to vector<32x4096xi32>
    %reduce_sum3A_26 = arith.constant dense<0> : vector<32xi32>
    %reduce_sum3A_27 = vector.multi_reduction <add>, %convert_element_type3A, %reduce_sum3A_26 [1] : vector<32x4096xi32> to vector<32xi32>
    %broadcast_in_dim3A_28 = vector.shape_cast %reduce_sum3A_27 : vector<32xi32> to vector<32x1xi32>
    %slice3A_29 = vector.extract_strided_slice %get3A_1 {offsets = [0, 4096], sizes = [32, 4096], strides = [1, 1]} : vector<32x32768xf32> to vector<32x4096xf32>
    %ge3A_30 = vector.broadcast %sub3A_20 : vector<32x1xf32> to vector<32x4096xf32>
    %ge3A_31 = arith.cmpf oge, %slice3A_29, %ge3A_30 : vector<32x4096xf32>
    %convert_element_type3A_32 = arith.extui %ge3A_31 : vector<32x4096xi1> to vector<32x4096xi32>
    %reduce_sum3A_33 = arith.constant dense<0> : vector<32xi32>
    %reduce_sum3A_34 = vector.multi_reduction <add>, %convert_element_type3A_32, %reduce_sum3A_33 [1] : vector<32x4096xi32> to vector<32xi32>
    %broadcast_in_dim3A_35 = vector.shape_cast %reduce_sum3A_34 : vector<32xi32> to vector<32x1xi32>
    %slice3A_36 = vector.extract_strided_slice %get3A_1 {offsets = [0, 8192], sizes = [32, 4096], strides = [1, 1]} : vector<32x32768xf32> to vector<32x4096xf32>
    %ge3A_37 = vector.broadcast %sub3A_20 : vector<32x1xf32> to vector<32x4096xf32>
    %ge3A_38 = arith.cmpf oge, %slice3A_36, %ge3A_37 : vector<32x4096xf32>
    %convert_element_type3A_39 = arith.extui %ge3A_38 : vector<32x4096xi1> to vector<32x4096xi32>
    %reduce_sum3A_40 = arith.constant dense<0> : vector<32xi32>
    %reduce_sum3A_41 = vector.multi_reduction <add>, %convert_element_type3A_39, %reduce_sum3A_40 [1] : vector<32x4096xi32> to vector<32xi32>
    %broadcast_in_dim3A_42 = vector.shape_cast %reduce_sum3A_41 : vector<32xi32> to vector<32x1xi32>
    %slice3A_43 = vector.extract_strided_slice %get3A_1 {offsets = [0, 12288], sizes = [32, 4096], strides = [1, 1]} : vector<32x32768xf32> to vector<32x4096xf32>
    %ge3A_44 = vector.broadcast %sub3A_20 : vector<32x1xf32> to vector<32x4096xf32>
    %ge3A_45 = arith.cmpf oge, %slice3A_43, %ge3A_44 : vector<32x4096xf32>
    %convert_element_type3A_46 = arith.extui %ge3A_45 : vector<32x4096xi1> to vector<32x4096xi32>
    %reduce_sum3A_47 = arith.constant dense<0> : vector<32xi32>
    %reduce_sum3A_48 = vector.multi_reduction <add>, %convert_element_type3A_46, %reduce_sum3A_47 [1] : vector<32x4096xi32> to vector<32xi32>
    %broadcast_in_dim3A_49 = vector.shape_cast %reduce_sum3A_48 : vector<32xi32> to vector<32x1xi32>
    %slice3A_50 = vector.extract_strided_slice %get3A_1 {offsets = [0, 16384], sizes = [32, 4096], strides = [1, 1]} : vector<32x32768xf32> to vector<32x4096xf32>
    %ge3A_51 = vector.broadcast %sub3A_20 : vector<32x1xf32> to vector<32x4096xf32>
    %ge3A_52 = arith.cmpf oge, %slice3A_50, %ge3A_51 : vector<32x4096xf32>
    %convert_element_type3A_53 = arith.extui %ge3A_52 : vector<32x4096xi1> to vector<32x4096xi32>
    %reduce_sum3A_54 = arith.constant dense<0> : vector<32xi32>
    %reduce_sum3A_55 = vector.multi_reduction <add>, %convert_element_type3A_53, %reduce_sum3A_54 [1] : vector<32x4096xi32> to vector<32xi32>
    %broadcast_in_dim3A_56 = vector.shape_cast %reduce_sum3A_55 : vector<32xi32> to vector<32x1xi32>
    %slice3A_57 = vector.extract_strided_slice %get3A_1 {offsets = [0, 20480], sizes = [32, 4096], strides = [1, 1]} : vector<32x32768xf32> to vector<32x4096xf32>
    %ge3A_58 = vector.broadcast %sub3A_20 : vector<32x1xf32> to vector<32x4096xf32>
    %ge3A_59 = arith.cmpf oge, %slice3A_57, %ge3A_58 : vector<32x4096xf32>
    %convert_element_type3A_60 = arith.extui %ge3A_59 : vector<32x4096xi1> to vector<32x4096xi32>
    %reduce_sum3A_61 = arith.constant dense<0> : vector<32xi32>
    %reduce_sum3A_62 = vector.multi_reduction <add>, %convert_element_type3A_60, %reduce_sum3A_61 [1] : vector<32x4096xi32> to vector<32xi32>
    %broadcast_in_dim3A_63 = vector.shape_cast %reduce_sum3A_62 : vector<32xi32> to vector<32x1xi32>
    %slice3A_64 = vector.extract_strided_slice %get3A_1 {offsets = [0, 24576], sizes = [32, 4096], strides = [1, 1]} : vector<32x32768xf32> to vector<32x4096xf32>
    %ge3A_65 = vector.broadcast %sub3A_20 : vector<32x1xf32> to vector<32x4096xf32>
    %ge3A_66 = arith.cmpf oge, %slice3A_64, %ge3A_65 : vector<32x4096xf32>
    %convert_element_type3A_67 = arith.extui %ge3A_66 : vector<32x4096xi1> to vector<32x4096xi32>
    %reduce_sum3A_68 = arith.constant dense<0> : vector<32xi32>
    %reduce_sum3A_69 = vector.multi_reduction <add>, %convert_element_type3A_67, %reduce_sum3A_68 [1] : vector<32x4096xi32> to vector<32xi32>
    %broadcast_in_dim3A_70 = vector.shape_cast %reduce_sum3A_69 : vector<32xi32> to vector<32x1xi32>
    %slice3A_71 = vector.extract_strided_slice %get3A_1 {offsets = [0, 28672], sizes = [32, 4096], strides = [1, 1]} : vector<32x32768xf32> to vector<32x4096xf32>
    %ge3A_72 = vector.broadcast %sub3A_20 : vector<32x1xf32> to vector<32x4096xf32>
    %ge3A_73 = arith.cmpf oge, %slice3A_71, %ge3A_72 : vector<32x4096xf32>
    %convert_element_type3A_74 = arith.extui %ge3A_73 : vector<32x4096xi1> to vector<32x4096xi32>
    %reduce_sum3A_75 = arith.constant dense<0> : vector<32xi32>
    %reduce_sum3A_76 = vector.multi_reduction <add>, %convert_element_type3A_74, %reduce_sum3A_75 [1] : vector<32x4096xi32> to vector<32xi32>
    %broadcast_in_dim3A_77 = vector.shape_cast %reduce_sum3A_76 : vector<32xi32> to vector<32x1xi32>
    %add3A_78 = arith.addi %broadcast_in_dim3A_28, %broadcast_in_dim3A_35 : vector<32x1xi32>
    %add3A_79 = arith.addi %add3A_78, %broadcast_in_dim3A_42 : vector<32x1xi32>
    %add3A_80 = arith.addi %add3A_79, %broadcast_in_dim3A_49 : vector<32x1xi32>
    %add3A_81 = arith.addi %add3A_80, %broadcast_in_dim3A_56 : vector<32x1xi32>
    %add3A_82 = arith.addi %add3A_81, %broadcast_in_dim3A_63 : vector<32x1xi32>
    %add3A_83 = arith.addi %add3A_82, %broadcast_in_dim3A_70 : vector<32x1xi32>
    %add3A_84 = arith.addi %add3A_83, %broadcast_in_dim3A_77 : vector<32x1xi32>
    %slice3A_85 = vector.extract_strided_slice %get3A_1 {offsets = [0, 0], sizes = [32, 4096], strides = [1, 1]} : vector<32x32768xf32> to vector<32x4096xf32>
    %ge3A_86 = vector.broadcast %add3A_23 : vector<32x1xf32> to vector<32x4096xf32>
    %ge3A_87 = arith.cmpf oge, %slice3A_85, %ge3A_86 : vector<32x4096xf32>
    %convert_element_type3A_88 = arith.extui %ge3A_87 : vector<32x4096xi1> to vector<32x4096xi32>
    %reduce_sum3A_89 = arith.constant dense<0> : vector<32xi32>
    %reduce_sum3A_90 = vector.multi_reduction <add>, %convert_element_type3A_88, %reduce_sum3A_89 [1] : vector<32x4096xi32> to vector<32xi32>
    %broadcast_in_dim3A_91 = vector.shape_cast %reduce_sum3A_90 : vector<32xi32> to vector<32x1xi32>
    %slice3A_92 = vector.extract_strided_slice %get3A_1 {offsets = [0, 4096], sizes = [32, 4096], strides = [1, 1]} : vector<32x32768xf32> to vector<32x4096xf32>
    %ge3A_93 = vector.broadcast %add3A_23 : vector<32x1xf32> to vector<32x4096xf32>
    %ge3A_94 = arith.cmpf oge, %slice3A_92, %ge3A_93 : vector<32x4096xf32>
    %convert_element_type3A_95 = arith.extui %ge3A_94 : vector<32x4096xi1> to vector<32x4096xi32>
    %reduce_sum3A_96 = arith.constant dense<0> : vector<32xi32>
    %reduce_sum3A_97 = vector.multi_reduction <add>, %convert_element_type3A_95, %reduce_sum3A_96 [1] : vector<32x4096xi32> to vector<32xi32>
    %broadcast_in_dim3A_98 = vector.shape_cast %reduce_sum3A_97 : vector<32xi32> to vector<32x1xi32>
    %slice3A_99 = vector.extract_strided_slice %get3A_1 {offsets = [0, 8192], sizes = [32, 4096], strides = [1, 1]} : vector<32x32768xf32> to vector<32x4096xf32>
    %ge3A_100 = vector.broadcast %add3A_23 : vector<32x1xf32> to vector<32x4096xf32>
    %ge3A_101 = arith.cmpf oge, %slice3A_99, %ge3A_100 : vector<32x4096xf32>
    %convert_element_type3A_102 = arith.extui %ge3A_101 : vector<32x4096xi1> to vector<32x4096xi32>
    %reduce_sum3A_103 = arith.constant dense<0> : vector<32xi32>
    %reduce_sum3A_104 = vector.multi_reduction <add>, %convert_element_type3A_102, %reduce_sum3A_103 [1] : vector<32x4096xi32> to vector<32xi32>
    %broadcast_in_dim3A_105 = vector.shape_cast %reduce_sum3A_104 : vector<32xi32> to vector<32x1xi32>
    %slice3A_106 = vector.extract_strided_slice %get3A_1 {offsets = [0, 12288], sizes = [32, 4096], strides = [1, 1]} : vector<32x32768xf32> to vector<32x4096xf32>
    %ge3A_107 = vector.broadcast %add3A_23 : vector<32x1xf32> to vector<32x4096xf32>
    %ge3A_108 = arith.cmpf oge, %slice3A_106, %ge3A_107 : vector<32x4096xf32>
    %convert_element_type3A_109 = arith.extui %ge3A_108 : vector<32x4096xi1> to vector<32x4096xi32>
    %reduce_sum3A_110 = arith.constant dense<0> : vector<32xi32>
    %reduce_sum3A_111 = vector.multi_reduction <add>, %convert_element_type3A_109, %reduce_sum3A_110 [1] : vector<32x4096xi32> to vector<32xi32>
    %broadcast_in_dim3A_112 = vector.shape_cast %reduce_sum3A_111 : vector<32xi32> to vector<32x1xi32>
    %slice3A_113 = vector.extract_strided_slice %get3A_1 {offsets = [0, 16384], sizes = [32, 4096], strides = [1, 1]} : vector<32x32768xf32> to vector<32x4096xf32>
    %ge3A_114 = vector.broadcast %add3A_23 : vector<32x1xf32> to vector<32x4096xf32>
    %ge3A_115 = arith.cmpf oge, %slice3A_113, %ge3A_114 : vector<32x4096xf32>
    %convert_element_type3A_116 = arith.extui %ge3A_115 : vector<32x4096xi1> to vector<32x4096xi32>
    %reduce_sum3A_117 = arith.constant dense<0> : vector<32xi32>
    %reduce_sum3A_118 = vector.multi_reduction <add>, %convert_element_type3A_116, %reduce_sum3A_117 [1] : vector<32x4096xi32> to vector<32xi32>
    %broadcast_in_dim3A_119 = vector.shape_cast %reduce_sum3A_118 : vector<32xi32> to vector<32x1xi32>
    %slice3A_120 = vector.extract_strided_slice %get3A_1 {offsets = [0, 20480], sizes = [32, 4096], strides = [1, 1]} : vector<32x32768xf32> to vector<32x4096xf32>
    %ge3A_121 = vector.broadcast %add3A_23 : vector<32x1xf32> to vector<32x4096xf32>
    %ge3A_122 = arith.cmpf oge, %slice3A_120, %ge3A_121 : vector<32x4096xf32>
    %convert_element_type3A_123 = arith.extui %ge3A_122 : vector<32x4096xi1> to vector<32x4096xi32>
    %reduce_sum3A_124 = arith.constant dense<0> : vector<32xi32>
    %reduce_sum3A_125 = vector.multi_reduction <add>, %convert_element_type3A_123, %reduce_sum3A_124 [1] : vector<32x4096xi32> to vector<32xi32>
    %broadcast_in_dim3A_126 = vector.shape_cast %reduce_sum3A_125 : vector<32xi32> to vector<32x1xi32>
    %slice3A_127 = vector.extract_strided_slice %get3A_1 {offsets = [0, 24576], sizes = [32, 4096], strides = [1, 1]} : vector<32x32768xf32> to vector<32x4096xf32>
    %ge3A_128 = vector.broadcast %add3A_23 : vector<32x1xf32> to vector<32x4096xf32>
    %ge3A_129 = arith.cmpf oge, %slice3A_127, %ge3A_128 : vector<32x4096xf32>
    %convert_element_type3A_130 = arith.extui %ge3A_129 : vector<32x4096xi1> to vector<32x4096xi32>
    %reduce_sum3A_131 = arith.constant dense<0> : vector<32xi32>
    %reduce_sum3A_132 = vector.multi_reduction <add>, %convert_element_type3A_130, %reduce_sum3A_131 [1] : vector<32x4096xi32> to vector<32xi32>
    %broadcast_in_dim3A_133 = vector.shape_cast %reduce_sum3A_132 : vector<32xi32> to vector<32x1xi32>
    %slice3A_134 = vector.extract_strided_slice %get3A_1 {offsets = [0, 28672], sizes = [32, 4096], strides = [1, 1]} : vector<32x32768xf32> to vector<32x4096xf32>
    %ge3A_135 = vector.broadcast %add3A_23 : vector<32x1xf32> to vector<32x4096xf32>
    %ge3A_136 = arith.cmpf oge, %slice3A_134, %ge3A_135 : vector<32x4096xf32>
    %convert_element_type3A_137 = arith.extui %ge3A_136 : vector<32x4096xi1> to vector<32x4096xi32>
    %reduce_sum3A_138 = arith.constant dense<0> : vector<32xi32>
    %reduce_sum3A_139 = vector.multi_reduction <add>, %convert_element_type3A_137, %reduce_sum3A_138 [1] : vector<32x4096xi32> to vector<32xi32>
    %broadcast_in_dim3A_140 = vector.shape_cast %reduce_sum3A_139 : vector<32xi32> to vector<32x1xi32>
    %add3A_141 = arith.addi %broadcast_in_dim3A_91, %broadcast_in_dim3A_98 : vector<32x1xi32>
    %add3A_142 = arith.addi %add3A_141, %broadcast_in_dim3A_105 : vector<32x1xi32>
    %add3A_143 = arith.addi %add3A_142, %broadcast_in_dim3A_112 : vector<32x1xi32>
    %add3A_144 = arith.addi %add3A_143, %broadcast_in_dim3A_119 : vector<32x1xi32>
    %add3A_145 = arith.addi %add3A_144, %broadcast_in_dim3A_126 : vector<32x1xi32>
    %add3A_146 = arith.addi %add3A_145, %broadcast_in_dim3A_133 : vector<32x1xi32>
    %add3A_147 = arith.addi %add3A_146, %broadcast_in_dim3A_140 : vector<32x1xi32>
    %ge3A_148 = arith.constant 512 : i32
    %ge3A_149 = vector.broadcast %ge3A_148 : i32 to vector<32x1xi32>
    %ge3A_150 = arith.cmpi sge, %add3A_84, %ge3A_149 : vector<32x1xi32>
    %lt3A = arith.constant 512 : i32
    %lt3A_151 = vector.broadcast %lt3A : i32 to vector<32x1xi32>
    %lt3A_152 = arith.cmpi slt, %add3A_147, %lt3A_151 : vector<32x1xi32>
    %and3A = arith.andi %ge3A_150, %lt3A_152 : vector<32x1xi1>
    %bitcast_convert_type3A = tpu.bitcast %sub3A_20 : vector<32x1xf32> -> vector<32x1xi32>
    %lt3A_153 = arith.constant 0 : i32
    %lt3A_154 = vector.broadcast %lt3A_153 : i32 to vector<32x1xi32>
    %lt3A_155 = arith.cmpi slt, %bitcast_convert_type3A, %lt3A_154 : vector<32x1xi32>
    %xor3A = arith.constant 2147483647 : i32
    %xor3A_156 = vector.broadcast %xor3A : i32 to vector<32x1xi32>
    %xor3A_157 = arith.xori %bitcast_convert_type3A, %xor3A_156 : vector<32x1xi32>
    %select_n3A = arith.select %lt3A_155, %xor3A_157, %bitcast_convert_type3A : vector<32x1xi1>, vector<32x1xi32>
    %jit3A = arith.constant -2139095041 : i32
    %broadcast_in_dim3A_158 = vector.broadcast %jit3A : i32 to vector<32x1xi32>
    %select_n3A_159 = arith.select %and3A, %select_n3A, %broadcast_in_dim3A_158 : vector<32x1xi1>, vector<32x1xi32>
    %bitcast_convert_type3A_160 = tpu.bitcast %add3A_23 : vector<32x1xf32> -> vector<32x1xi32>
    %lt3A_161 = arith.constant 0 : i32
    %lt3A_162 = vector.broadcast %lt3A_161 : i32 to vector<32x1xi32>
    %lt3A_163 = arith.cmpi slt, %bitcast_convert_type3A_160, %lt3A_162 : vector<32x1xi32>
    %xor3A_164 = arith.constant 2147483647 : i32
    %xor3A_165 = vector.broadcast %xor3A_164 : i32 to vector<32x1xi32>
    %xor3A_166 = arith.xori %bitcast_convert_type3A_160, %xor3A_165 : vector<32x1xi32>
    %select_n3A_167 = arith.select %lt3A_163, %xor3A_166, %bitcast_convert_type3A_160 : vector<32x1xi1>, vector<32x1xi32>
    %jit3A_168 = arith.constant 2139095040 : i32
    %broadcast_in_dim3A_169 = vector.broadcast %jit3A_168 : i32 to vector<32x1xi32>
    %select_n3A_170 = arith.select %and3A, %select_n3A_167, %broadcast_in_dim3A_169 : vector<32x1xi1>, vector<32x1xi32>
    %jit3A_171 = arith.constant 32768 : i32
    %broadcast_in_dim3A_172 = vector.broadcast %jit3A_171 : i32 to vector<32x1xi32>
    %select_n3A_173 = arith.select %and3A, %add3A_84, %broadcast_in_dim3A_172 : vector<32x1xi1>, vector<32x1xi32>
    %jit3A_174 = arith.constant 0 : i32
    %broadcast_in_dim3A_175 = vector.broadcast %jit3A_174 : i32 to vector<32x1xi32>
    %select_n3A_176 = arith.select %and3A, %add3A_147, %broadcast_in_dim3A_175 : vector<32x1xi1>, vector<32x1xi32>
    %while3A = arith.constant 0 : i32
    %while3A_177:5 = scf.while (%while3A_196 = %while3A, %while3A_197 = %select_n3A_159, %while3A_198 = %select_n3A_170, %while3A_199 = %select_n3A_173, %while3A_200 = %select_n3A_176) : (i32, vector<32x1xi32>, vector<32x1xi32>, vector<32x1xi32>, vector<32x1xi32>) -> (i32, vector<32x1xi32>, vector<32x1xi32>, vector<32x1xi32>, vector<32x1xi32>) {
      %gt3A = arith.constant 512 : i32
      %gt3A_201 = vector.broadcast %gt3A : i32 to vector<32x1xi32>
      %gt3A_202 = arith.cmpi sgt, %while3A_199, %gt3A_201 : vector<32x1xi32>
      %sub3A_203 = arith.constant 1 : i32
      %sub3A_204 = vector.broadcast %sub3A_203 : i32 to vector<32x1xi32>
      %sub3A_205 = arith.subi %while3A_198, %sub3A_204 : vector<32x1xi32>
      %gt3A_206 = arith.cmpi sgt, %sub3A_205, %while3A_197 : vector<32x1xi32>
      %and3A_207 = arith.andi %gt3A_202, %gt3A_206 : vector<32x1xi1>
      %convert_element_type3A_208 = arith.extui %and3A_207 : vector<32x1xi1> to vector<32x1xi32>
      %reduce_max3A = vector.shape_cast %convert_element_type3A_208 : vector<32x1xi32> to vector<1x32x1xi32>
      %reduce_max3A_209 = arith.constant dense<-2147483648> : vector<1xi32>
      %reduce_max3A_210 = vector.multi_reduction <maxsi>, %reduce_max3A, %reduce_max3A_209 [1, 2] : vector<1x32x1xi32> to vector<1xi32>
      %reduce_max3A_211 = vector.shape_cast %reduce_max3A_210 : vector<1xi32> to vector<1x1x1xi32>
      %reduce_max3A_212 = vector.extract %reduce_max3A_211[0, 0, 0] : i32 from vector<1x1x1xi32>
      %gt3A_213 = arith.constant 0 : i32
      %gt3A_214 = arith.cmpi sgt, %reduce_max3A_212, %gt3A_213 : i32
      scf.condition(%gt3A_214) %while3A_196, %while3A_197, %while3A_198, %while3A_199, %while3A_200 : i32, vector<32x1xi32>, vector<32x1xi32>, vector<32x1xi32>, vector<32x1xi32>
    } do {
    ^bb0(%while3A_196: i32, %while3A_197: vector<32x1xi32>, %while3A_198: vector<32x1xi32>, %while3A_199: vector<32x1xi32>, %while3A_200: vector<32x1xi32>):
      %sub3A_201 = arith.constant 512 : i32
      %sub3A_202 = vector.broadcast %sub3A_201 : i32 to vector<32x1xi32>
      %sub3A_203 = arith.subi %while3A_199, %sub3A_202 : vector<32x1xi32>
      %convert_element_type3A_204 = arith.sitofp %sub3A_203 : vector<32x1xi32> to vector<32x1xf32>
      %sub3A_205 = arith.subi %while3A_199, %while3A_200 : vector<32x1xi32>
      %convert_element_type3A_206 = arith.sitofp %sub3A_205 : vector<32x1xi32> to vector<32x1xf32>
      %max3A_207 = arith.constant 1.000000e+00 : f32
      %max3A_208 = vector.broadcast %max3A_207 : f32 to vector<32x1xf32>
      %max3A_209 = arith.maximumf %convert_element_type3A_206, %max3A_208 : vector<32x1xf32>
      %div3A = arith.divf %convert_element_type3A_204, %max3A_209 : vector<32x1xf32>
      %sub3A_210 = arith.subi %while3A_198, %while3A_197 : vector<32x1xi32>
      %convert_element_type3A_211 = arith.sitofp %sub3A_210 : vector<32x1xi32> to vector<32x1xf32>
      %mul3A_212 = arith.mulf %div3A, %convert_element_type3A_211 : vector<32x1xf32>
      %convert_element_type3A_213 = arith.fptosi %mul3A_212 : vector<32x1xf32> to vector<32x1xi32>
      %add3A_214 = arith.addi %while3A_197, %convert_element_type3A_213 : vector<32x1xi32>
      %add3A_215 = arith.constant 1 : i32
      %add3A_216 = vector.broadcast %add3A_215 : i32 to vector<32x1xi32>
      %add3A_217 = arith.addi %while3A_197, %add3A_216 : vector<32x1xi32>
      %sub3A_218 = arith.constant 1 : i32
      %sub3A_219 = vector.broadcast %sub3A_218 : i32 to vector<32x1xi32>
      %sub3A_220 = arith.subi %while3A_198, %sub3A_219 : vector<32x1xi32>
      %max3A_221 = arith.maxsi %add3A_217, %add3A_214 : vector<32x1xi32>
      %min3A = arith.minsi %sub3A_220, %max3A_221 : vector<32x1xi32>
      %lt3A_222 = arith.constant 0 : i32
      %lt3A_223 = vector.broadcast %lt3A_222 : i32 to vector<32x1xi32>
      %lt3A_224 = arith.cmpi slt, %min3A, %lt3A_223 : vector<32x1xi32>
      %xor3A_225 = arith.constant 2147483647 : i32
      %xor3A_226 = vector.broadcast %xor3A_225 : i32 to vector<32x1xi32>
      %xor3A_227 = arith.xori %min3A, %xor3A_226 : vector<32x1xi32>
      %select_n3A_228 = arith.select %lt3A_224, %xor3A_227, %min3A : vector<32x1xi1>, vector<32x1xi32>
      %bitcast_convert_type3A_229 = tpu.bitcast %select_n3A_228 : vector<32x1xi32> -> vector<32x1xf32>
      %slice3A_230 = vector.extract_strided_slice %get3A_1 {offsets = [0, 0], sizes = [32, 4096], strides = [1, 1]} : vector<32x32768xf32> to vector<32x4096xf32>
      %ge3A_231 = vector.broadcast %bitcast_convert_type3A_229 : vector<32x1xf32> to vector<32x4096xf32>
      %ge3A_232 = arith.cmpf oge, %slice3A_230, %ge3A_231 : vector<32x4096xf32>
      %convert_element_type3A_233 = arith.extui %ge3A_232 : vector<32x4096xi1> to vector<32x4096xi32>
      %reduce_sum3A_234 = arith.constant dense<0> : vector<32xi32>
      %reduce_sum3A_235 = vector.multi_reduction <add>, %convert_element_type3A_233, %reduce_sum3A_234 [1] : vector<32x4096xi32> to vector<32xi32>
      %broadcast_in_dim3A_236 = vector.shape_cast %reduce_sum3A_235 : vector<32xi32> to vector<32x1xi32>
      %slice3A_237 = vector.extract_strided_slice %get3A_1 {offsets = [0, 4096], sizes = [32, 4096], strides = [1, 1]} : vector<32x32768xf32> to vector<32x4096xf32>
      %ge3A_238 = vector.broadcast %bitcast_convert_type3A_229 : vector<32x1xf32> to vector<32x4096xf32>
      %ge3A_239 = arith.cmpf oge, %slice3A_237, %ge3A_238 : vector<32x4096xf32>
      %convert_element_type3A_240 = arith.extui %ge3A_239 : vector<32x4096xi1> to vector<32x4096xi32>
      %reduce_sum3A_241 = arith.constant dense<0> : vector<32xi32>
      %reduce_sum3A_242 = vector.multi_reduction <add>, %convert_element_type3A_240, %reduce_sum3A_241 [1] : vector<32x4096xi32> to vector<32xi32>
      %broadcast_in_dim3A_243 = vector.shape_cast %reduce_sum3A_242 : vector<32xi32> to vector<32x1xi32>
      %slice3A_244 = vector.extract_strided_slice %get3A_1 {offsets = [0, 8192], sizes = [32, 4096], strides = [1, 1]} : vector<32x32768xf32> to vector<32x4096xf32>
      %ge3A_245 = vector.broadcast %bitcast_convert_type3A_229 : vector<32x1xf32> to vector<32x4096xf32>
      %ge3A_246 = arith.cmpf oge, %slice3A_244, %ge3A_245 : vector<32x4096xf32>
      %convert_element_type3A_247 = arith.extui %ge3A_246 : vector<32x4096xi1> to vector<32x4096xi32>
      %reduce_sum3A_248 = arith.constant dense<0> : vector<32xi32>
      %reduce_sum3A_249 = vector.multi_reduction <add>, %convert_element_type3A_247, %reduce_sum3A_248 [1] : vector<32x4096xi32> to vector<32xi32>
      %broadcast_in_dim3A_250 = vector.shape_cast %reduce_sum3A_249 : vector<32xi32> to vector<32x1xi32>
      %slice3A_251 = vector.extract_strided_slice %get3A_1 {offsets = [0, 12288], sizes = [32, 4096], strides = [1, 1]} : vector<32x32768xf32> to vector<32x4096xf32>
      %ge3A_252 = vector.broadcast %bitcast_convert_type3A_229 : vector<32x1xf32> to vector<32x4096xf32>
      %ge3A_253 = arith.cmpf oge, %slice3A_251, %ge3A_252 : vector<32x4096xf32>
      %convert_element_type3A_254 = arith.extui %ge3A_253 : vector<32x4096xi1> to vector<32x4096xi32>
      %reduce_sum3A_255 = arith.constant dense<0> : vector<32xi32>
      %reduce_sum3A_256 = vector.multi_reduction <add>, %convert_element_type3A_254, %reduce_sum3A_255 [1] : vector<32x4096xi32> to vector<32xi32>
      %broadcast_in_dim3A_257 = vector.shape_cast %reduce_sum3A_256 : vector<32xi32> to vector<32x1xi32>
      %slice3A_258 = vector.extract_strided_slice %get3A_1 {offsets = [0, 16384], sizes = [32, 4096], strides = [1, 1]} : vector<32x32768xf32> to vector<32x4096xf32>
      %ge3A_259 = vector.broadcast %bitcast_convert_type3A_229 : vector<32x1xf32> to vector<32x4096xf32>
      %ge3A_260 = arith.cmpf oge, %slice3A_258, %ge3A_259 : vector<32x4096xf32>
      %convert_element_type3A_261 = arith.extui %ge3A_260 : vector<32x4096xi1> to vector<32x4096xi32>
      %reduce_sum3A_262 = arith.constant dense<0> : vector<32xi32>
      %reduce_sum3A_263 = vector.multi_reduction <add>, %convert_element_type3A_261, %reduce_sum3A_262 [1] : vector<32x4096xi32> to vector<32xi32>
      %broadcast_in_dim3A_264 = vector.shape_cast %reduce_sum3A_263 : vector<32xi32> to vector<32x1xi32>
      %slice3A_265 = vector.extract_strided_slice %get3A_1 {offsets = [0, 20480], sizes = [32, 4096], strides = [1, 1]} : vector<32x32768xf32> to vector<32x4096xf32>
      %ge3A_266 = vector.broadcast %bitcast_convert_type3A_229 : vector<32x1xf32> to vector<32x4096xf32>
      %ge3A_267 = arith.cmpf oge, %slice3A_265, %ge3A_266 : vector<32x4096xf32>
      %convert_element_type3A_268 = arith.extui %ge3A_267 : vector<32x4096xi1> to vector<32x4096xi32>
      %reduce_sum3A_269 = arith.constant dense<0> : vector<32xi32>
      %reduce_sum3A_270 = vector.multi_reduction <add>, %convert_element_type3A_268, %reduce_sum3A_269 [1] : vector<32x4096xi32> to vector<32xi32>
      %broadcast_in_dim3A_271 = vector.shape_cast %reduce_sum3A_270 : vector<32xi32> to vector<32x1xi32>
      %slice3A_272 = vector.extract_strided_slice %get3A_1 {offsets = [0, 24576], sizes = [32, 4096], strides = [1, 1]} : vector<32x32768xf32> to vector<32x4096xf32>
      %ge3A_273 = vector.broadcast %bitcast_convert_type3A_229 : vector<32x1xf32> to vector<32x4096xf32>
      %ge3A_274 = arith.cmpf oge, %slice3A_272, %ge3A_273 : vector<32x4096xf32>
      %convert_element_type3A_275 = arith.extui %ge3A_274 : vector<32x4096xi1> to vector<32x4096xi32>
      %reduce_sum3A_276 = arith.constant dense<0> : vector<32xi32>
      %reduce_sum3A_277 = vector.multi_reduction <add>, %convert_element_type3A_275, %reduce_sum3A_276 [1] : vector<32x4096xi32> to vector<32xi32>
      %broadcast_in_dim3A_278 = vector.shape_cast %reduce_sum3A_277 : vector<32xi32> to vector<32x1xi32>
      %slice3A_279 = vector.extract_strided_slice %get3A_1 {offsets = [0, 28672], sizes = [32, 4096], strides = [1, 1]} : vector<32x32768xf32> to vector<32x4096xf32>
      %ge3A_280 = vector.broadcast %bitcast_convert_type3A_229 : vector<32x1xf32> to vector<32x4096xf32>
      %ge3A_281 = arith.cmpf oge, %slice3A_279, %ge3A_280 : vector<32x4096xf32>
      %convert_element_type3A_282 = arith.extui %ge3A_281 : vector<32x4096xi1> to vector<32x4096xi32>
      %reduce_sum3A_283 = arith.constant dense<0> : vector<32xi32>
      %reduce_sum3A_284 = vector.multi_reduction <add>, %convert_element_type3A_282, %reduce_sum3A_283 [1] : vector<32x4096xi32> to vector<32xi32>
      %broadcast_in_dim3A_285 = vector.shape_cast %reduce_sum3A_284 : vector<32xi32> to vector<32x1xi32>
      %add3A_286 = arith.addi %broadcast_in_dim3A_236, %broadcast_in_dim3A_243 : vector<32x1xi32>
      %add3A_287 = arith.addi %add3A_286, %broadcast_in_dim3A_250 : vector<32x1xi32>
      %add3A_288 = arith.addi %add3A_287, %broadcast_in_dim3A_257 : vector<32x1xi32>
      %add3A_289 = arith.addi %add3A_288, %broadcast_in_dim3A_264 : vector<32x1xi32>
      %add3A_290 = arith.addi %add3A_289, %broadcast_in_dim3A_271 : vector<32x1xi32>
      %add3A_291 = arith.addi %add3A_290, %broadcast_in_dim3A_278 : vector<32x1xi32>
      %add3A_292 = arith.addi %add3A_291, %broadcast_in_dim3A_285 : vector<32x1xi32>
      %ge3A_293 = arith.constant 512 : i32
      %ge3A_294 = vector.broadcast %ge3A_293 : i32 to vector<32x1xi32>
      %ge3A_295 = arith.cmpi sge, %add3A_292, %ge3A_294 : vector<32x1xi32>
      %select_n3A_296 = arith.select %ge3A_295, %min3A, %while3A_197 : vector<32x1xi1>, vector<32x1xi32>
      %select_n3A_297 = arith.select %ge3A_295, %while3A_198, %min3A : vector<32x1xi1>, vector<32x1xi32>
      %select_n3A_298 = arith.select %ge3A_295, %add3A_292, %while3A_199 : vector<32x1xi1>, vector<32x1xi32>
      %select_n3A_299 = arith.select %ge3A_295, %while3A_200, %add3A_292 : vector<32x1xi1>, vector<32x1xi32>
      %shift_right_arithmetic3A = arith.constant 1 : i32
      %shift_right_arithmetic3A_300 = vector.broadcast %shift_right_arithmetic3A : i32 to vector<32x1xi32>
      %shift_right_arithmetic3A_301 = arith.shrsi %select_n3A_296, %shift_right_arithmetic3A_300 : vector<32x1xi32>
      %shift_right_arithmetic3A_302 = arith.constant 1 : i32
      %shift_right_arithmetic3A_303 = vector.broadcast %shift_right_arithmetic3A_302 : i32 to vector<32x1xi32>
      %shift_right_arithmetic3A_304 = arith.shrsi %select_n3A_297, %shift_right_arithmetic3A_303 : vector<32x1xi32>
      %add3A_305 = arith.addi %shift_right_arithmetic3A_301, %shift_right_arithmetic3A_304 : vector<32x1xi32>
      %and3A_306 = arith.andi %select_n3A_296, %select_n3A_297 : vector<32x1xi32>
      %and3A_307 = arith.constant 1 : i32
      %and3A_308 = vector.broadcast %and3A_307 : i32 to vector<32x1xi32>
      %and3A_309 = arith.andi %and3A_306, %and3A_308 : vector<32x1xi32>
      %add3A_310 = arith.addi %add3A_305, %and3A_309 : vector<32x1xi32>
      %and3A_311 = arith.constant 1 : i32
      %and3A_312 = arith.andi %while3A_196, %and3A_311 : i32
      %gt3A = arith.constant 0 : i32
      %gt3A_313 = arith.cmpi sgt, %and3A_312, %gt3A : i32
      %sub3A_314 = arith.constant 512 : i32
      %sub3A_315 = vector.broadcast %sub3A_314 : i32 to vector<32x1xi32>
      %sub3A_316 = arith.subi %select_n3A_298, %sub3A_315 : vector<32x1xi32>
      %convert_element_type3A_317 = arith.sitofp %sub3A_316 : vector<32x1xi32> to vector<32x1xf32>
      %sub3A_318 = arith.subi %select_n3A_298, %select_n3A_299 : vector<32x1xi32>
      %convert_element_type3A_319 = arith.sitofp %sub3A_318 : vector<32x1xi32> to vector<32x1xf32>
      %max3A_320 = arith.constant 1.000000e+00 : f32
      %max3A_321 = vector.broadcast %max3A_320 : f32 to vector<32x1xf32>
      %max3A_322 = arith.maximumf %convert_element_type3A_319, %max3A_321 : vector<32x1xf32>
      %div3A_323 = arith.divf %convert_element_type3A_317, %max3A_322 : vector<32x1xf32>
      %sub3A_324 = arith.subi %select_n3A_297, %select_n3A_296 : vector<32x1xi32>
      %convert_element_type3A_325 = arith.sitofp %sub3A_324 : vector<32x1xi32> to vector<32x1xf32>
      %mul3A_326 = arith.mulf %div3A_323, %convert_element_type3A_325 : vector<32x1xf32>
      %convert_element_type3A_327 = arith.fptosi %mul3A_326 : vector<32x1xf32> to vector<32x1xi32>
      %add3A_328 = arith.addi %select_n3A_296, %convert_element_type3A_327 : vector<32x1xi32>
      %select_n3A_329 = arith.select %gt3A_313, %add3A_310, %add3A_328 : vector<32x1xi32>
      %add3A_330 = arith.constant 1 : i32
      %add3A_331 = vector.broadcast %add3A_330 : i32 to vector<32x1xi32>
      %add3A_332 = arith.addi %select_n3A_296, %add3A_331 : vector<32x1xi32>
      %sub3A_333 = arith.constant 1 : i32
      %sub3A_334 = vector.broadcast %sub3A_333 : i32 to vector<32x1xi32>
      %sub3A_335 = arith.subi %select_n3A_297, %sub3A_334 : vector<32x1xi32>
      %max3A_336 = arith.maxsi %add3A_332, %select_n3A_329 : vector<32x1xi32>
      %min3A_337 = arith.minsi %sub3A_335, %max3A_336 : vector<32x1xi32>
      %lt3A_338 = arith.constant 0 : i32
      %lt3A_339 = vector.broadcast %lt3A_338 : i32 to vector<32x1xi32>
      %lt3A_340 = arith.cmpi slt, %min3A_337, %lt3A_339 : vector<32x1xi32>
      %xor3A_341 = arith.constant 2147483647 : i32
      %xor3A_342 = vector.broadcast %xor3A_341 : i32 to vector<32x1xi32>
      %xor3A_343 = arith.xori %min3A_337, %xor3A_342 : vector<32x1xi32>
      %select_n3A_344 = arith.select %lt3A_340, %xor3A_343, %min3A_337 : vector<32x1xi1>, vector<32x1xi32>
      %bitcast_convert_type3A_345 = tpu.bitcast %select_n3A_344 : vector<32x1xi32> -> vector<32x1xf32>
      %slice3A_346 = vector.extract_strided_slice %get3A_1 {offsets = [0, 0], sizes = [32, 4096], strides = [1, 1]} : vector<32x32768xf32> to vector<32x4096xf32>
      %ge3A_347 = vector.broadcast %bitcast_convert_type3A_345 : vector<32x1xf32> to vector<32x4096xf32>
      %ge3A_348 = arith.cmpf oge, %slice3A_346, %ge3A_347 : vector<32x4096xf32>
      %convert_element_type3A_349 = arith.extui %ge3A_348 : vector<32x4096xi1> to vector<32x4096xi32>
      %reduce_sum3A_350 = arith.constant dense<0> : vector<32xi32>
      %reduce_sum3A_351 = vector.multi_reduction <add>, %convert_element_type3A_349, %reduce_sum3A_350 [1] : vector<32x4096xi32> to vector<32xi32>
      %broadcast_in_dim3A_352 = vector.shape_cast %reduce_sum3A_351 : vector<32xi32> to vector<32x1xi32>
      %slice3A_353 = vector.extract_strided_slice %get3A_1 {offsets = [0, 4096], sizes = [32, 4096], strides = [1, 1]} : vector<32x32768xf32> to vector<32x4096xf32>
      %ge3A_354 = vector.broadcast %bitcast_convert_type3A_345 : vector<32x1xf32> to vector<32x4096xf32>
      %ge3A_355 = arith.cmpf oge, %slice3A_353, %ge3A_354 : vector<32x4096xf32>
      %convert_element_type3A_356 = arith.extui %ge3A_355 : vector<32x4096xi1> to vector<32x4096xi32>
      %reduce_sum3A_357 = arith.constant dense<0> : vector<32xi32>
      %reduce_sum3A_358 = vector.multi_reduction <add>, %convert_element_type3A_356, %reduce_sum3A_357 [1] : vector<32x4096xi32> to vector<32xi32>
      %broadcast_in_dim3A_359 = vector.shape_cast %reduce_sum3A_358 : vector<32xi32> to vector<32x1xi32>
      %slice3A_360 = vector.extract_strided_slice %get3A_1 {offsets = [0, 8192], sizes = [32, 4096], strides = [1, 1]} : vector<32x32768xf32> to vector<32x4096xf32>
      %ge3A_361 = vector.broadcast %bitcast_convert_type3A_345 : vector<32x1xf32> to vector<32x4096xf32>
      %ge3A_362 = arith.cmpf oge, %slice3A_360, %ge3A_361 : vector<32x4096xf32>
      %convert_element_type3A_363 = arith.extui %ge3A_362 : vector<32x4096xi1> to vector<32x4096xi32>
      %reduce_sum3A_364 = arith.constant dense<0> : vector<32xi32>
      %reduce_sum3A_365 = vector.multi_reduction <add>, %convert_element_type3A_363, %reduce_sum3A_364 [1] : vector<32x4096xi32> to vector<32xi32>
      %broadcast_in_dim3A_366 = vector.shape_cast %reduce_sum3A_365 : vector<32xi32> to vector<32x1xi32>
      %slice3A_367 = vector.extract_strided_slice %get3A_1 {offsets = [0, 12288], sizes = [32, 4096], strides = [1, 1]} : vector<32x32768xf32> to vector<32x4096xf32>
      %ge3A_368 = vector.broadcast %bitcast_convert_type3A_345 : vector<32x1xf32> to vector<32x4096xf32>
      %ge3A_369 = arith.cmpf oge, %slice3A_367, %ge3A_368 : vector<32x4096xf32>
      %convert_element_type3A_370 = arith.extui %ge3A_369 : vector<32x4096xi1> to vector<32x4096xi32>
      %reduce_sum3A_371 = arith.constant dense<0> : vector<32xi32>
      %reduce_sum3A_372 = vector.multi_reduction <add>, %convert_element_type3A_370, %reduce_sum3A_371 [1] : vector<32x4096xi32> to vector<32xi32>
      %broadcast_in_dim3A_373 = vector.shape_cast %reduce_sum3A_372 : vector<32xi32> to vector<32x1xi32>
      %slice3A_374 = vector.extract_strided_slice %get3A_1 {offsets = [0, 16384], sizes = [32, 4096], strides = [1, 1]} : vector<32x32768xf32> to vector<32x4096xf32>
      %ge3A_375 = vector.broadcast %bitcast_convert_type3A_345 : vector<32x1xf32> to vector<32x4096xf32>
      %ge3A_376 = arith.cmpf oge, %slice3A_374, %ge3A_375 : vector<32x4096xf32>
      %convert_element_type3A_377 = arith.extui %ge3A_376 : vector<32x4096xi1> to vector<32x4096xi32>
      %reduce_sum3A_378 = arith.constant dense<0> : vector<32xi32>
      %reduce_sum3A_379 = vector.multi_reduction <add>, %convert_element_type3A_377, %reduce_sum3A_378 [1] : vector<32x4096xi32> to vector<32xi32>
      %broadcast_in_dim3A_380 = vector.shape_cast %reduce_sum3A_379 : vector<32xi32> to vector<32x1xi32>
      %slice3A_381 = vector.extract_strided_slice %get3A_1 {offsets = [0, 20480], sizes = [32, 4096], strides = [1, 1]} : vector<32x32768xf32> to vector<32x4096xf32>
      %ge3A_382 = vector.broadcast %bitcast_convert_type3A_345 : vector<32x1xf32> to vector<32x4096xf32>
      %ge3A_383 = arith.cmpf oge, %slice3A_381, %ge3A_382 : vector<32x4096xf32>
      %convert_element_type3A_384 = arith.extui %ge3A_383 : vector<32x4096xi1> to vector<32x4096xi32>
      %reduce_sum3A_385 = arith.constant dense<0> : vector<32xi32>
      %reduce_sum3A_386 = vector.multi_reduction <add>, %convert_element_type3A_384, %reduce_sum3A_385 [1] : vector<32x4096xi32> to vector<32xi32>
      %broadcast_in_dim3A_387 = vector.shape_cast %reduce_sum3A_386 : vector<32xi32> to vector<32x1xi32>
      %slice3A_388 = vector.extract_strided_slice %get3A_1 {offsets = [0, 24576], sizes = [32, 4096], strides = [1, 1]} : vector<32x32768xf32> to vector<32x4096xf32>
      %ge3A_389 = vector.broadcast %bitcast_convert_type3A_345 : vector<32x1xf32> to vector<32x4096xf32>
      %ge3A_390 = arith.cmpf oge, %slice3A_388, %ge3A_389 : vector<32x4096xf32>
      %convert_element_type3A_391 = arith.extui %ge3A_390 : vector<32x4096xi1> to vector<32x4096xi32>
      %reduce_sum3A_392 = arith.constant dense<0> : vector<32xi32>
      %reduce_sum3A_393 = vector.multi_reduction <add>, %convert_element_type3A_391, %reduce_sum3A_392 [1] : vector<32x4096xi32> to vector<32xi32>
      %broadcast_in_dim3A_394 = vector.shape_cast %reduce_sum3A_393 : vector<32xi32> to vector<32x1xi32>
      %slice3A_395 = vector.extract_strided_slice %get3A_1 {offsets = [0, 28672], sizes = [32, 4096], strides = [1, 1]} : vector<32x32768xf32> to vector<32x4096xf32>
      %ge3A_396 = vector.broadcast %bitcast_convert_type3A_345 : vector<32x1xf32> to vector<32x4096xf32>
      %ge3A_397 = arith.cmpf oge, %slice3A_395, %ge3A_396 : vector<32x4096xf32>
      %convert_element_type3A_398 = arith.extui %ge3A_397 : vector<32x4096xi1> to vector<32x4096xi32>
      %reduce_sum3A_399 = arith.constant dense<0> : vector<32xi32>
      %reduce_sum3A_400 = vector.multi_reduction <add>, %convert_element_type3A_398, %reduce_sum3A_399 [1] : vector<32x4096xi32> to vector<32xi32>
      %broadcast_in_dim3A_401 = vector.shape_cast %reduce_sum3A_400 : vector<32xi32> to vector<32x1xi32>
      %add3A_402 = arith.addi %broadcast_in_dim3A_352, %broadcast_in_dim3A_359 : vector<32x1xi32>
      %add3A_403 = arith.addi %add3A_402, %broadcast_in_dim3A_366 : vector<32x1xi32>
      %add3A_404 = arith.addi %add3A_403, %broadcast_in_dim3A_373 : vector<32x1xi32>
      %add3A_405 = arith.addi %add3A_404, %broadcast_in_dim3A_380 : vector<32x1xi32>
      %add3A_406 = arith.addi %add3A_405, %broadcast_in_dim3A_387 : vector<32x1xi32>
      %add3A_407 = arith.addi %add3A_406, %broadcast_in_dim3A_394 : vector<32x1xi32>
      %add3A_408 = arith.addi %add3A_407, %broadcast_in_dim3A_401 : vector<32x1xi32>
      %ge3A_409 = arith.constant 512 : i32
      %ge3A_410 = vector.broadcast %ge3A_409 : i32 to vector<32x1xi32>
      %ge3A_411 = arith.cmpi sge, %add3A_408, %ge3A_410 : vector<32x1xi32>
      %select_n3A_412 = arith.select %ge3A_411, %min3A_337, %select_n3A_296 : vector<32x1xi1>, vector<32x1xi32>
      %select_n3A_413 = arith.select %ge3A_411, %select_n3A_297, %min3A_337 : vector<32x1xi1>, vector<32x1xi32>
      %select_n3A_414 = arith.select %ge3A_411, %add3A_408, %select_n3A_298 : vector<32x1xi1>, vector<32x1xi32>
      %select_n3A_415 = arith.select %ge3A_411, %select_n3A_299, %add3A_408 : vector<32x1xi1>, vector<32x1xi32>
      %add3A_416 = arith.constant 1 : i32
      %add3A_417 = arith.addi %while3A_196, %add3A_416 : i32
      scf.yield %add3A_417, %select_n3A_412, %select_n3A_413, %select_n3A_414, %select_n3A_415 : i32, vector<32x1xi32>, vector<32x1xi32>, vector<32x1xi32>, vector<32x1xi32>
    }
    %max3A_178 = arith.constant 1 : i32
    %max3A_179 = vector.broadcast %max3A_178 : i32 to vector<32x1xi32>
    %max3A_180 = arith.maxsi %while3A_177#1, %max3A_179 : vector<32x1xi32>
    %lt3A_181 = arith.constant 0 : i32
    %lt3A_182 = vector.broadcast %lt3A_181 : i32 to vector<32x1xi32>
    %lt3A_183 = arith.cmpi slt, %max3A_180, %lt3A_182 : vector<32x1xi32>
    %xor3A_184 = arith.constant 2147483647 : i32
    %xor3A_185 = vector.broadcast %xor3A_184 : i32 to vector<32x1xi32>
    %xor3A_186 = arith.xori %max3A_180, %xor3A_185 : vector<32x1xi32>
    %select_n3A_187 = arith.select %lt3A_183, %xor3A_186, %max3A_180 : vector<32x1xi1>, vector<32x1xi32>
    %bitcast_convert_type3A_188 = tpu.bitcast %select_n3A_187 : vector<32x1xi32> -> vector<32x1xf32>
    %ge3A_189 = vector.broadcast %bitcast_convert_type3A_188 : vector<32x1xf32> to vector<32x32768xf32>
    %ge3A_190 = arith.cmpf oge, %get3A_1, %ge3A_189 : vector<32x32768xf32>
    %jit3A_191 = arith.constant 0.000000e+00 : f32
    %broadcast_in_dim3A_192 = vector.broadcast %jit3A_191 : f32 to vector<32x32768xf32>
    %select_n3A_193 = arith.select %ge3A_190, %get3A_1, %broadcast_in_dim3A_192 : vector<32x32768xi1>, vector<32x32768xf32>
    %swap3A = arith.constant 0 : index
    %swap3A_194 = arith.constant 0 : index
    %swap3A_195 = vector.load %arg2[%swap3A, %swap3A_194] : memref<32x32768xf32, #tpu.memory_space<vmem>>, vector<32x32768xf32>
    tpu.vector_store %arg2[%swap3A, %swap3A_194], %select_n3A_193 {strides = array<i32>} : memref<32x32768xf32, #tpu.memory_space<vmem>>, vector<32x32768xf32>,
    return
  }
  func.func @transform_0(%arg0: i32) -> (i32, i32) {
    %c0_i32 = arith.constant 0 : i32
    %c0_i32_0 = arith.constant 0 : i32
    return %arg0, %c0_i32 : i32, i32
  }
  func.func @transform_1(%arg0: i32) -> (i32, i32) {
    %c0_i32 = arith.constant 0 : i32
    %c0_i32_0 = arith.constant 0 : i32
    return %arg0, %c0_i32 : i32, i32
  }
}

</mosaic_0001>

<sc_bundles>
// kernel: kernel.4.cloned.1.call-start
scs
__scs_entry_jumppad:
0x0: {  	(pc) =	sbr.rel $0x88, $3  }
0x1: {  	(tag) =	ssettag $0x0;
	lr =	simm.s32 $0x1  }
0x2: {  	[smem:$0x3FA0] =	sst lr;
	_ =	strace $0xD0000000  }
0x3: {  	_ = 	snop  }
0x4: {  	_ = 	snop  }
0x5: {  	_ = 	snop  }
0x6: {  	_ = 	snop  }
0x7: {  	_ = 	snop  }
__scs_overlays_trampoline_lowered:
0x8: {  	[smem:$0x3FAF] =	sst s0  }
0x9: {  	[smem:$0x3FB0] =	sst s1  }
0xa: {  	[smem:$0x3FB1] =	sst s2  }
0xb: {  	[smem:$0x3FB2] =	sst s3  }
0xc: {  	[smem:$0x3FB3] =	sst s4  }
0xd: {  	[smem:$0x3FB4] =	sst s5  }
0xe: {  	[smem:$0x3FB5] =	sst s6  }
0xf: {  	[smem:$0x3FB6] =	sst s7  }
0x10: {  	[smem:$0x3FB7] =	sst s8  }
0x11: {  	[smem:$0x3FB8] =	sst s9;
	s0 =	simm.s32 @!p0 $0x0  }
0x12: {  	s1 =	sld [smem:$0x3F9E];
	s0 =	simm.s32 @p0 $0x1  }
0x13: {  	[smem:$0x3FB9] =	sst s0;
	s0 =	simm.s32 @!p1 $0x0  }
0x14: {  	s2 =	sld [smem:$0x3F9D];
	s0 =	simm.s32 @p1 $0x1  }
0x15: {  	[smem:$0x3FBA] =	sst s0;
	s0 =	simm.s32 @!p2 $0x0  }
0x16: {  	s3 =	sld [smem:$0x3FDB];
	s0 =	simm.s32 @p2 $0x1  }
0x17: {  	s4 =	simm.s32 $0x1BF5;
	[smem:$0x3FBC] =	sst s0  }
0x18: {  	s0 =	sld [smem:$0x3F9F];
	_ =	swait.ge [sflag:s4], $0x0  }
0x19: {  	s7 =	sld [smem:$0x3FA0]  }
0x1a: {  	s8 =	sadd.s32 $0xFFFFE003, lr  }
0x1b: {  	s9 =	sadd.s32 $0xFFFFFEF7, lr;
	s5 =	simm.s32 $0xFFFFFFFF;
	p2 =	slt.u32 s8, $0xFFFFF086  }
0x1c: {  	p1 =	slt.u32 s9, $0xF7A;
	s5 =	simm.s32 @!p2 $0x0  }
0x1d: {  	s5 =	simm.s32 @p1 $0x1;
	p0 =	seq.s32 s7, s2  }
0x1e: {  	s7 =	smul.u32 @!p0 $0xF7A, s2;
	p2 =	seq.s32 @!p0 s5, $0x0  }
0x1f: {  	s9 =	smul.u32 $0xF7A, s1;
	s8 =	simm.s32 @!p0 $0x1BF5;
	p2 =	por !p2, p0  }
0x20: {  	[sflag:s8] =	ssyncset.s32 @!p0 $0xFFFFF086;
	s6 =	sadd.s32 @!p0 s3, s7;
	s7 =	simm.s32 @!p0 $0x108  }
0x21: {  	s3 =	sadd.s32 s3, s9;
	s6 =	sadd.s32 @!p0 $0x88, s6;
	s7 =	simm.s32 @p2 $0x1082  }
0x22: {  	[simem:s7], [sflag:s8] =	dma.local @!p0 [hbm:s6], $0xF7A  }
0x23: {  	s9 =	sor.u32 $0xD0000000, s2;
	s6 =	simm.s32 $0x108;
	_ =	swait.ge @!p0 [sflag:s8], $0x0  }
0x24: {  	s3 =	sadd.s32 $0x88, s3;
	s6 =	simm.s32 @!p1 $0x1082;
	[sflag:s4] =	ssyncset.s32 $0xFFFFF086  }
0x25: {  	[simem:s6], [sflag:s4] =	dma.local [hbm:s3], $0xF7A  }
0x26: {  	[smem:$0x3FA0] =	sst s1;
	(tag) =	ssettag s2;
	_ =	strace s9  }
0x27: {  	s1 =	sld [smem:$0x3FB0]  }
0x28: {  	s2 =	sld [smem:$0x3FB1]  }
0x29: {  	s4 =	sld [smem:$0x3FB3]  }
0x2a: {  	p0 =	seq.s32 s5, $0x0;
	s5 =	sld [smem:$0x3FB4]  }
0x2b: {  	s6 =	sld [smem:$0x3FB5]  }
0x2c: {  	s7 =	sld [smem:$0x3FB6]  }
0x2d: {  	s3 =	simm.s32 $0x108;
	s8 =	sld [smem:$0x3FB7]  }
0x2e: {  	s3 =	simm.s32 @!p0 $0x1082;
	s9 =	sld [smem:$0x3FB8]  }
0x2f: {  	lr =	sadd.s32 s0, s3;
	s0 =	sld [smem:$0x3FAF]  }
0x30: {  	s3 =	sld [smem:$0x3FB2]  }
0x31: {  	[smem:$0x3FBB] =	sst s10  }
0x32: {  	s10 =	sld [smem:$0x3FB9];
	_ =	sdelay $0x3  }
0x33: {  	p0 =	seq.s32 s10, $0x1;
	s10 =	sld [smem:$0x3FBB];
	_ =	sdelay $0x3  }
0x34: {  	[smem:$0x3FBB] =	sst s10  }
0x35: {  	s10 =	sld [smem:$0x3FBA];
	_ =	sdelay $0x3  }
0x36: {  	p1 =	seq.s32 s10, $0x1;
	s10 =	sld [smem:$0x3FBB];
	_ =	sdelay $0x3  }
0x37: {  	[smem:$0x3FBB] =	sst s10  }
0x38: {  	s10 =	sld [smem:$0x3FBC]  }
0x39: {  	_ = 	snop;
	(pc) =	sbr.ind lr, $3  }
0x3a: {  	_ = 	snop  }
0x3b: {  	_ = 	snop  }
0x3c: {  	p2 =	seq.s32 s10, $0x1;
	s10 =	sld [smem:$0x3FBB]  }
0x3d: {  	_ =	shalt  }
0x3e: {  	_ =	shalt  }
0x3f: {  	_ =	shalt  }
0x40: {  	_ =	shalt  }
0x41: {  	_ =	shalt  }
0x42: {  	_ =	shalt  }
0x43: {  	_ =	shalt  }
0x44: {  	_ =	shalt  }
0x45: {  	_ =	shalt  }
0x46: {  	_ =	shalt  }
0x47: {  	_ =	shalt  }
0x48: {  	_ =	shalt  }
0x49: {  	_ =	shalt  }
0x4a: {  	_ =	shalt  }
0x4b: {  	_ =	shalt  }
0x4c: {  	_ =	shalt  }
0x4d: {  	_ =	shalt  }
0x4e: {  	_ =	shalt  }
0x4f: {  	_ =	shalt  }
0x50: {  	_ =	shalt  }
0x51: {  	_ =	shalt  }
0x52: {  	_ =	shalt  }
0x53: {  	_ =	shalt  }
0x54: {  	_ =	shalt  }
0x55: {  	_ =	shalt  }
0x56: {  	_ =	shalt  }
0x57: {  	_ =	shalt  }
0x58: {  	_ =	shalt  }
0x59: {  	_ =	shalt  }
0x5a: {  	_ =	shalt  }
0x5b: {  	_ =	shalt  }
0x5c: {  	_ =	shalt  }
0x5d: {  	_ =	shalt  }
0x5e: {  	_ =	shalt  }
0x5f: {  	_ =	shalt  }
0x60: {  	_ =	shalt  }
0x61: {  	_ =	shalt  }
0x62: {  	_ =	shalt  }
0x63: {  	_ =	shalt  }
0x64: {  	_ =	shalt  }
0x65: {  	_ =	shalt  }
0x66: {  	_ =	shalt  }
0x67: {  	_ =	shalt  }
0x68: {  	_ =	shalt  }
0x69: {  	_ =	shalt  }
0x6a: {  	_ =	shalt  }
0x6b: {  	_ =	shalt  }
0x6c: {  	_ =	shalt  }
0x6d: {  	_ =	shalt  }
0x6e: {  	_ =	shalt  }
0x6f: {  	_ =	shalt  }
0x70: {  	_ =	shalt  }
0x71: {  	_ =	shalt  }
0x72: {  	_ =	shalt  }
0x73: {  	_ =	shalt  }
0x74: {  	_ =	shalt  }
0x75: {  	_ =	shalt  }
0x76: {  	_ =	shalt  }
0x77: {  	_ =	shalt  }
0x78: {  	_ =	shalt  }
0x79: {  	_ =	shalt  }
0x7a: {  	_ =	shalt  }
0x7b: {  	_ =	shalt  }
0x7c: {  	_ =	shalt  }
0x7d: {  	_ =	shalt  }
0x7e: {  	_ =	shalt  }
0x7f: {  	_ =	shalt  }
0x80: {  	_ =	shalt  }
0x81: {  	_ =	shalt  }
0x82: {  	_ =	shalt  }
0x83: {  	_ =	shalt  }
0x84: {  	_ =	shalt  }
0x85: {  	_ =	shalt  }
0x86: {  	_ =	shalt  }
0x87: {  	_ =	shalt  }
.Lfunc_end0:
.L_simem_size_0:
called_computation_lowered:
.L_overlay_start_0:
0x88: {  	s2 =	sld [smem:$0x3FD9]  }
0x89: {  	s3 =	sld [smem:$0x3FFE];
	_ =	sdelay $0x1  }
0x8a: {  	s1 =	srdreg.scid  }
0x8b: {  	s0 =	sand.u32 $0x1, s1  }
0x8c: {  	s17 =	sshll.u32 s0, $0xA;
	s2 =	sadd.s32 s3, s2  }
0x8d: {  	s2 =	sadd.s32 s2, s17  }
0x8e: {  	[smem:$0x3FC7] =	sst s2  }
0x8f: {  	_ = 	snop  }
0x90: {  	s2 =	sld [smem:$0x3FC9];
	(tm) =	ssettm $0x1  }
0x91: {  	s18 =	sld [smem:$0x3FFB];
	_ =	sdelay $0x3  }
0x92: {  	_ =	strace s18  }
0x93: {  	s3 =	sld [smem:$0x3FFC];
	_ =	sdelay $0x3  }
0x94: {  	_ =	strace s3  }
0x95: {  	s3 =	sld [smem:$0x3FFD];
	_ =	sdelay $0x3  }
0x96: {  	_ =	strace s3  }
0x97: {  	_ =	strace $0x8FFFFFFF  }
0x98: {  	s19 =	sld [smem:$0x3FDB];
	_ =	sdelay $0x1  }
0x99: {  	s4 =	simm.s32 $_scs_section_size  }
0x9a: {  	s5 =	simm.s32 $_size__tile_overlayer_lowered;
	s6 =	simm.s32 $_tile_overlayer_lowered  }
0x9b: {  	s22 =	simm.s32 $0x1BFF;
	s21 =	sshll.u32 s6, $0x1;
	s3 =	sadd.s32 s4, s19  }
0x9c: {  	s7 =	simm.s32 $0x0;
	s20 =	sshll.u32 s5, $0x1;
	s5 =	sadd.s32 s21, s3  }
0x9d: {  	[timem:s7], [sflag:s22] =	dma.local [hbm:s5], s20  }
0x9e: {  	_ =	swait.ge [sflag:s22], s20  }
0x9f: {  	s4 =	ssub.s32 $0x0, s20;
	[sflag:s22] =	ssyncset.done $0x0  }
0xa0: {  	[sflag:s22] =	ssyncadd.s32 s4;
	_ =	sdelay $0x1  }
0xa1: {  	s23 =	simm.s32 $0x1B8B  }
0xa2: {  	_ =	swait.ge [sflag:s23], $0x1  }
0xa3: {  	[sflag:s23] =	ssyncset.done $0x0  }
0xa4: {  	s25 =	simm.s32 $0x1B8E;
	s24 =	sld [smem:$0x3FFE];
	[sflag:s23] =	ssyncadd.s32 $0xFFFFFFFF  }
0xa5: {  	s26 =	simm.s32 $execute0_lowered;
	[smem:$0x3FD2] =	sst s25  }
0xa6: {  	s5 =	sshll.u32 s26, $0x1;
	_ =	strace $0x80000046;
	[dreg:$0x1] =	wrdreg $0xFFFFFFFF  }
0xa7: {  	s28 =	simm.s32 $_size_execute0_lowered;
	s3 =	sadd.s32 s3, s5;
	[dreg:$0x0] =	wrdreg $0x0  }
0xa8: {  	s5 =	sshll.u32 s28, $0x1;
	[dreg:$0x2] =	wrdreg s3  }
0xa9: {  	[dreg:$0x3] =	wrdreg s5  }
0xaa: {  	[dreg:$0x4] =	wrdreg $0xC0  }
0xab: {  	_ =	task [dreg:s7], $0x5FFFF  }
0xac: {  	[dreg:$0x1] =	wrdreg $0xFFFFFFFF  }
0xad: {  	[dreg:$0x0] =	wrdreg $0x60  }
0xae: {  	[dreg:$0x2] =	wrdreg s2  }
0xaf: {  	[dreg:$0x3] =	wrdreg s24  }
0xb0: {  	[dreg:$0x4] =	wrdreg $0x9  }
0xb1: {  	_ =	task.clear_ibuf [dreg:s7], $0x5FFFF;
	_ =	strace $0x90000046  }
0xb2: {  	s29 =	simm.s32 $0x9;
	_ =	strace $0x80000048  }
0xb3: {  	_ =	swait.ge [sflag:s29], $0x1  }
0xb4: {  	[sflag:s29] =	ssyncadd.s32 $0xFFFFFFFF  }
0xb5: {  	_ =	strace $0x90000048  }
0xb6: {  	_ =	sfence  }
0xb7: {  	s30 =	sld [smem:$0x0];
	_ =	sdelay $0x2  }
0xb8: {  	s31 =	sshll.u32 s1, $0xD;
	s1 =	sshrl.u32 s1, $0x2  }
0xb9: {  	s3 =	sand.u32 $0x4000, s31;
	s1 =	sadd.s32 s1, s30  }
0xba: {  	s0 =	sor.u32 s3, s0;
	s1 =	sshll.u32 s1, $0x11  }
0xbb: {  	s0 =	sor.u32 s1, s0  }
0xbc: {  	s0 =	sadd.s32 $0x8F2B, s0  }
0xbd: {  	[sflag:s0] =	ssyncadd.remote.s32 $0x1  }
0xbe: {  	_ =	sfence.sel $0xFFFF  }
0xbf: {  	[dreg:$0x0] =	wrdreg $0xFFFFFFFF;
	(pc) =	sbr.abs _section_cstart, $3  }
0xc0: {  	[dreg:$0x1] =	wrdreg $0xFFFFFFFF  }
0xc1: {  	_ =	task.clear_ibuf [dreg:s7], $0x2FFFF;
	_ =	strace $0x9FFFFFFF  }
0xc2: {  	(tm) =	ssettm $0x7FFFFFFF  }
0xc3: {  	_ =	shalt  }
tec
execute0_lowered:
.L_overlay_start_1:
0x0: {  	(tag) =	ssettag $0x1  }
0x1: {  	s3 =	rddreg [dreg:$0x0]  }
0x2: {  	s4 =	rddreg [dreg:$0x1]  }
0x3: {  	s0 =	rddreg [dreg:$0x2]  }
0x4: {  	s5 =	srdreg.scid;
	s1 =	stileid.u32  }
0x5: {  	s2 =	simm.s32 $0x0;
	s9 =	simm.s32 $0x8000;
	s10 =	simm.s32 $0x0  }
0x6: {  	s5 =	sand.u32 $0x1, s5;
	s6 =	sshll.u32 s1, $0x5;
	s7 =	sshll.u32 s1, $0xD  }
0x7: {  	[smem:$0x7FF] =	sst s2;
	s8 =	sshll.u32 s5, $0x4;
	s6 =	sand.u32 $0x60, s6  }
0x8: {  	s7 =	sand.u32 $0x18000, s7;
	_ =	strace $0x80000047;
	s5 =	ssub.s32 $0x2, s5  }
0x9: {  	s6 =	sor.u32 s8, s6;
	s31 =	sshrl.u32 s5, $0x1;
	s8 =	simm.s32 $0x1  }
0xa: {  	s6 =	sor.u32 s7, s6;
	s5 =	ssub.s32 s5, s31;
	s7 =	simm.s32 $0x400  }
0xb: {  	s4 =	sadd.s32 s6, s4;
	s3 =	sadd.s32 s6, s3;
	s5 =	smax.u32 s5, $0x1  }
0xc: {  	v0 =	vimm.s32 $0x0;
	s6 =	simm.s32 $0x80;
	s3 =	sadd.s32 $0x60000, s3;
	s4 =	sadd.s32 $0x400, s4  }
.LBB2_1:
0xd: {  	[tilespmem:s2], [sflag:$0x1] =	stream.strided.gather [hbm4b:s3+s6], $0x8000, s7, s6, $0x38;
	[tilespmem:$0x10000] =	vst v63  }
0xe: {  	_ =	swait.ge [sflag:s8], $0x8000  }
0xf: {  	[sflag:s8] =	ssyncset.done $0x0  }
0x10: {  	s12 =	simm.s32 $0x0;
	[sflag:s8] =	ssyncadd.s32 $0xFFFF8000  }
0x11: {  	v3 =	vld [tilespmem:s12+$0x0]  }
0x12: {  	v1 =	vimm.f32 $0.0e+00;
	s11 =	simm.s32 $0x40;
	v2 =	vimm.f32 $0.0e+00  }
.LBB2_2:
0x13: {  	p0 =	sne.s32 s11, $0x3FC0  }
.Ltmp0:
0x14: {  	_ = 	snop;
	(pc) =	sbr.rel @p0 .LBB2_2-.Ltmp0, $4  }
0x15: {  	_ = 	snop  }
0x16: {  	s12 =	sshra.s32 s11, $0x2;
	s11 =	sadd.s32 $0x40, s11;
	v1 =	vadd.f32 v3, v1;
	v4 =	vmul.f32 v3, v3  }
0x17: {  	v3 =	vld [tilespmem:s12+$0x0]  }
0x18: {  	v2 =	vadd.f32 v4, v2  }
0x19: {  	_ =	sdelay $0x2  }
0x1a: {  	v4 =	vmul.f32 v3, v3  }
0x1b: {  	v1 =	vadd.f32 v3, v1  }
0x1c: {  	v2 =	vadd.f32 v4, v2  }
0x1d: {  	(xrf2) =	vadd.scan.msk.f32 $0xffff, v1  }
0x1e: {  	(xrf2) =	vadd.scan.msk.f32 $0xffff, v2;
	_ =	sdelay $0x8  }
0x1f: {  	v1, _, _ =	vpop (xrf2)  }
0x20: {  	(v2sf) =	vpush v1, $0xF;
	v1, _, _ =	vpop (xrf2)  }
0x21: {  	(v2sf) =	vpush v1, $0xF;
	_ =	sdelay $0xd  }
0x22: {  	s11 =	spop (v2sf)  }
0x23: {  	s11 =	smul.f32 $2.441406250e-04, s11;
	s12 =	spop (v2sf)  }
0x24: {  	s12 =	smul.f32 $2.441406250e-04, s12  }
0x25: {  	s13 =	smul.f32 s11, s11;
	_ =	sdelay $0x1  }
0x26: {  	s12 =	ssub.f32 s12, s13;
	_ =	sdelay $0x1  }
0x27: {  	s12 =	smax.f32 s12, $1.000000000e-30  }
0x28: {  	s30 =	sshra.s32 s12, $0x1;
	s14 =	smul.f32 $5.000000000e-01, s12  }
0x29: {  	s13 =	ssub.s32 $0x5F3759DF, s30  }
0x2a: {  	s15 =	smul.f32 s13, s14;
	_ =	sdelay $0x1  }
0x2b: {  	s15 =	smul.f32 s13, s15;
	_ =	sdelay $0x1  }
0x2c: {  	s15 =	ssub.f32 $1.500000000e+00, s15;
	_ =	sdelay $0x1  }
0x2d: {  	s13 =	smul.f32 s13, s15;
	_ =	sdelay $0x1  }
0x2e: {  	s15 =	smul.f32 s13, s14;
	_ =	sdelay $0x1  }
0x2f: {  	s15 =	smul.f32 s15, s13;
	_ =	sdelay $0x1  }
0x30: {  	s15 =	ssub.f32 $1.500000000e+00, s15;
	_ =	sdelay $0x1  }
0x31: {  	s13 =	smul.f32 s15, s13;
	_ =	sdelay $0x1  }
0x32: {  	s14 =	smul.f32 s13, s14;
	_ =	sdelay $0x1  }
0x33: {  	s14 =	smul.f32 s14, s13;
	_ =	sdelay $0x1  }
0x34: {  	s14 =	ssub.f32 $1.500000000e+00, s14;
	_ =	sdelay $0x1  }
0x35: {  	s13 =	smul.f32 s14, s13;
	_ =	sdelay $0x1  }
0x36: {  	s12 =	smul.f32 s13, s12;
	_ =	sdelay $0x1  }
0x37: {  	s31 =	simm.s32 $0x0;
	s12 =	smul.f32 $2.153874640e+00, s12  }
0x38: {  	v2 =	vld [tilespmem:s31+$0x0]  }
0x39: {  	v1 =	vld [tilespmem:s31+$0x70];
	s12 =	sadd.f32 s12, s11;
	_ =	sdelay $0x1  }
0x3a: {  	v3 =	vld [tilespmem:s31+$0x10];
	s11 =	sadd.f32 $-3.499999940e-01, s12  }
0x3b: {  	v5 =	vimm.s32 $0x0;
	v9 =	vimm.s32 $0x0;
	v13 =	vld [tilespmem:s31+$0x20]  }
0x3c: {  	v8 =	vimm.s32 $0x0;
	v6 =	vimm.s32 $0x0;
	v10 =	vld [tilespmem:s31+$0x30];
	v7 =	vmov s11  }
0x3d: {  	v11 =	vld [tilespmem:s31+$0x40];
	v4 =	vimm.s32 $0x0;
	vm0 =	vge.f32 v1, v7;
	vm1 =	vge.f32 v2, v7  }
0x3e: {  	v12 =	vld [tilespmem:s31+$0x50];
	v2 =	vimm.s32 $0x0;
	v1 =	vsel vm0, $0x1, v0;
	v15 =	vsel vm1, $0x1, v0  }
0x3f: {  	v14 =	vld [tilespmem:s31+$0x60];
	s14 =	simm.s32 $0x400;
	s13 =	simm.s32 $0x80;
	vm0 =	vge.f32 v3, v7;
	v3 =	vimm.s32 $0x0;
	v1 =	vadd.s32 v1, v5  }
.LBB2_4:
0x40: {  	p0 =	sne.s32 s14, $0x1FE00;
	v16 =	vld [tilespmem:s13+$0x70];
	v5 =	vadd.s32 v15, v5;
	v15 =	vsel vm0, $0x1, v0;
	vm0 =	vge.f32 v13, v7  }
0x41: {  	v17 =	vld [tilespmem:s13+$0x0];
	v9 =	vadd.s32 v15, v9;
	v13 =	vsel vm0, $0x1, v0;
	vm0 =	vge.f32 v10, v7  }
0x42: {  	v18 =	vld [tilespmem:s13+$0x10];
	v8 =	vadd.s32 v13, v8;
	v10 =	vsel vm0, $0x1, v0;
	vm0 =	vge.f32 v11, v7  }
.Ltmp1:
0x43: {  	v13 =	vld [tilespmem:s13+$0x20];
	v4 =	vadd.s32 v10, v4;
	v11 =	vsel vm0, $0x1, v0;
	vm0 =	vge.f32 v12, v7;
	(pc) =	sbr.rel @p0 .LBB2_4-.Ltmp1, $4  }
0x44: {  	v10 =	vld [tilespmem:s13+$0x30];
	v6 =	vadd.s32 v11, v6;
	v12 =	vsel vm0, $0x1, v0;
	vm0 =	vge.f32 v14, v7  }
0x45: {  	v11 =	vld [tilespmem:s13+$0x40];
	vm1 =	vge.f32 v16, v7;
	v3 =	vadd.s32 v12, v3;
	v14 =	vsel vm0, $0x1, v0  }
0x46: {  	vm0 =	vge.f32 v17, v7;
	v12 =	vld [tilespmem:s13+$0x50];
	v16 =	vsel vm1, $0x1, v0;
	v2 =	vadd.s32 v14, v2  }
0x47: {  	v15 =	vsel vm0, $0x1, v0;
	vm0 =	vge.f32 v18, v7;
	v14 =	vld [tilespmem:s13+$0x60];
	s13 =	sshra.s32 s14, $0x2;
	s14 =	sadd.s32 $0x200, s14;
	v1 =	vadd.s32 v16, v1  }
0x48: {  	v16 =	vld [tilespmem:s13+$0x70];
	v17 =	vsel vm0, $0x1, v0;
	vm0 =	vge.f32 v13, v7  }
0x49: {  	v5 =	vadd.s32 v15, v5;
	v13 =	vld [tilespmem:s13+$0x0];
	v9 =	vadd.s32 v17, v9;
	v15 =	vsel vm0, $0x1, v0  }
0x4a: {  	vm0 =	vge.f32 v10, v7;
	v10 =	vld [tilespmem:s13+$0x10];
	v8 =	vadd.s32 v15, v8;
	vm1 =	vge.f32 v11, v7  }
0x4b: {  	v11 =	vsel vm0, $0x1, v0;
	v15 =	vld [tilespmem:s13+$0x20];
	v17 =	vsel vm1, $0x1, v0;
	vm0 =	vge.f32 v12, v7  }
0x4c: {  	v4 =	vadd.s32 v11, v4;
	v11 =	vld [tilespmem:s13+$0x30];
	v6 =	vadd.s32 v17, v6;
	v12 =	vsel vm0, $0x1, v0  }
0x4d: {  	vm0 =	vge.f32 v14, v7;
	v14 =	vld [tilespmem:s13+$0x40];
	vm1 =	vge.f32 v16, v7;
	v12 =	vadd.s32 v12, v3  }
0x4e: {  	v3 =	vsel vm0, $0x1, v0;
	vm0 =	vge.f32 v13, v7;
	v16 =	vsel vm1, $0x1, v0  }
0x4f: {  	v13 =	vld [tilespmem:s13+$0x50];
	v17 =	vadd.s32 v3, v2;
	v2 =	vsel vm0, $0x1, v0;
	vm0 =	vge.f32 v10, v7  }
0x50: {  	v10 =	vld [tilespmem:s13+$0x60];
	v1 =	vadd.s32 v16, v1;
	v2 =	vadd.s32 v2, v5;
	v3 =	vsel vm0, $0x1, v0  }
0x51: {  	s15 =	simm.s32 $0x0;
	vm0 =	vge.f32 v15, v7;
	v3 =	vadd.s32 v3, v9;
	vm1 =	vge.f32 v11, v7  }
0x52: {  	s12 =	sadd.f32 $3.499999940e-01, s12;
	v15 =	vld [tilespmem:s15+$0x0];
	v5 =	vsel vm0, $0x1, v0;
	v9 =	vsel vm1, $0x1, v0;
	vm0 =	vge.f32 v14, v7  }
0x53: {  	v11 =	vld [tilespmem:s15+$0x70];
	v5 =	vadd.s32 v5, v8;
	v14 =	vimm.s32 $0x0;
	v4 =	vadd.s32 v9, v4  }
0x54: {  	v8 =	vsel vm0, $0x1, v0;
	vm0 =	vge.f32 v13, v7;
	v9 =	vmov s12  }
0x55: {  	v16 =	vld [tilespmem:s15+$0x10];
	v13 =	vimm.s32 $0x0;
	vm1 =	vge.f32 v10, v7;
	v7 =	vsel vm0, $0x1, v0  }
0x56: {  	v20 =	vld [tilespmem:s15+$0x20];
	v6 =	vadd.s32 v8, v6;
	v10 =	vsel vm1, $0x1, v0;
	v8 =	vadd.s32 v7, v12  }
0x57: {  	v18 =	vld [tilespmem:s15+$0x30];
	vm1 =	vge.f32 v15, v9;
	v15 =	vimm.s32 $0x0;
	v12 =	vimm.s32 $0x0  }
0x58: {  	v21 =	vld [tilespmem:s15+$0x40];
	v7 =	vadd.s32 v10, v17;
	vm0 =	vge.f32 v11, v9;
	v23 =	vsel vm1, $0x1, v0  }
0x59: {  	v19 =	vld [tilespmem:s15+$0x50];
	v17 =	vimm.s32 $0x0;
	v11 =	vimm.s32 $0x0;
	v10 =	vsel vm0, $0x1, v0  }
0x5a: {  	s14 =	simm.s32 $0x400;
	v22 =	vld [tilespmem:s15+$0x60];
	s13 =	simm.s32 $0x80;
	vm0 =	vge.f32 v16, v9;
	v16 =	vimm.s32 $0x0;
	v10 =	vadd.s32 v10, v14  }
.LBB2_6:
0x5b: {  	p0 =	sne.s32 s14, $0x1FE00;
	v24 =	vld [tilespmem:s13+$0x70];
	v14 =	vadd.s32 v23, v14;
	v23 =	vsel vm0, $0x1, v0;
	vm0 =	vge.f32 v20, v9  }
0x5c: {  	v25 =	vld [tilespmem:s13+$0x0];
	v17 =	vadd.s32 v23, v17;
	v20 =	vsel vm0, $0x1, v0;
	vm0 =	vge.f32 v18, v9  }
0x5d: {  	v26 =	vld [tilespmem:s13+$0x10];
	v16 =	vadd.s32 v20, v16;
	v18 =	vsel vm0, $0x1, v0;
	vm0 =	vge.f32 v21, v9  }
.Ltmp2:
0x5e: {  	v20 =	vld [tilespmem:s13+$0x20];
	v13 =	vadd.s32 v18, v13;
	v21 =	vsel vm0, $0x1, v0;
	vm0 =	vge.f32 v19, v9;
	(pc) =	sbr.rel @p0 .LBB2_6-.Ltmp2, $4  }
0x5f: {  	v18 =	vld [tilespmem:s13+$0x30];
	v15 =	vadd.s32 v21, v15;
	v19 =	vsel vm0, $0x1, v0;
	vm0 =	vge.f32 v22, v9  }
0x60: {  	v21 =	vld [tilespmem:s13+$0x40];
	vm1 =	vge.f32 v24, v9;
	v12 =	vadd.s32 v19, v12;
	v22 =	vsel vm0, $0x1, v0  }
0x61: {  	vm0 =	vge.f32 v25, v9;
	v19 =	vld [tilespmem:s13+$0x50];
	v24 =	vsel vm1, $0x1, v0;
	v11 =	vadd.s32 v22, v11  }
0x62: {  	v23 =	vsel vm0, $0x1, v0;
	vm0 =	vge.f32 v26, v9;
	v22 =	vld [tilespmem:s13+$0x60];
	s13 =	sshra.s32 s14, $0x2;
	s14 =	sadd.s32 $0x200, s14;
	v10 =	vadd.s32 v24, v10  }
0x63: {  	v24 =	vld [tilespmem:s13+$0x70]  }
0x64: {  	v44 =	vld [tilespmem:s13+$0x0]  }
0x65: {  	v25 =	vsel vm0, $0x1, v0;
	v46 =	vld [tilespmem:s13+$0x10]  }
0x66: {  	v14 =	vadd.s32 v23, v14;
	vm4 =	vge.f32 v20, v9;
	v48 =	vld [tilespmem:s13+$0x20];
	v2 =	vadd.s32 v2, v3  }
0x67: {  	v50 =	vld [tilespmem:s13+$0x30];
	v17 =	vadd.s32 v25, v17;
	v45 =	vsel vm4, $0x1, v0;
	vm5 =	vge.f32 v18, v9  }
0x68: {  	v52 =	vld [tilespmem:s13+$0x40];
	v2 =	vadd.s32 v5, v2;
	vm1 =	vge.f32 v21, v9;
	v16 =	vadd.s32 v45, v16  }
0x69: {  	v54 =	vld [tilespmem:s13+$0x50];
	v47 =	vsel vm5, $0x1, v0;
	v2 =	vadd.s32 v4, v2;
	v49 =	vsel vm1, $0x1, v0  }
0x6a: {  	v57 =	vld [tilespmem:s13+$0x60];
	v13 =	vadd.s32 v47, v13;
	vm6 =	vge.f32 v19, v9;
	v2 =	vadd.s32 v6, v2  }
0x6b: {  	v15 =	vadd.s32 v49, v15;
	v51 =	vsel vm6, $0x1, v0;
	vm7 =	vge.f32 v22, v9  }
0x6c: {  	v2 =	vadd.s32 v8, v2;
	vm8 =	vge.f32 v24, v9;
	v12 =	vadd.s32 v51, v12  }
0x6d: {  	v53 =	vsel vm7, $0x1, v0;
	vm9 =	vge.f32 v44, v9;
	vm10 =	vge.f32 v46, v9  }
0x6e: {  	vm11 =	vge.f32 v48, v9;
	vm12 =	vge.f32 v50, v9;
	vm13 =	vge.f32 v52, v9  }
0x6f: {  	vm14 =	vge.f32 v54, v9;
	vm15 =	vge.f32 v57, v9;
	v2 =	vadd.s32 v7, v2  }
0x70: {  	v55 =	vsel vm9, $0x1, v0;
	v11 =	vadd.s32 v53, v11;
	v56 =	vsel vm10, $0x1, v0  }
0x71: {  	v58 =	vsel vm11, $0x1, v0;
	v14 =	vadd.s32 v55, v14;
	v17 =	vadd.s32 v56, v17  }
0x72: {  	v19 =	vsel vm12, $0x1, v0;
	v16 =	vadd.s32 v58, v16;
	v60 =	vadd.s32 v14, v17  }
0x73: {  	v59 =	vsel vm13, $0x1, v0;
	v13 =	vadd.s32 v19, v13;
	v61 =	vadd.s32 v16, v60  }
0x74: {  	v3 =	vsel vm14, $0x1, v0;
	v15 =	vadd.s32 v59, v15;
	v4 =	vadd.s32 v13, v61  }
0x75: {  	v62 =	vsel vm15, $0x1, v0;
	v3 =	vadd.s32 v3, v12;
	v4 =	vadd.s32 v15, v4  }
0x76: {  	v24 =	vsel vm8, $0x1, v0;
	v5 =	vadd.s32 v62, v11;
	v3 =	vadd.s32 v3, v4  }
0x77: {  	v1 =	vadd.s32 v1, v2;
	v63 =	vadd.s32 v24, v10;
	v2 =	vadd.s32 v5, v3  }
0x78: {  	(xrf0) =	vadd.scan.msk.s32 $0xffff, v1;
	v1 =	vadd.s32 v63, v2  }
0x79: {  	(xrf0) =	vadd.scan.msk.s32 $0xffff, v1;
	_ =	sdelay $0x4  }
0x7a: {  	v1, _, _ =	vpop (xrf0)  }
0x7b: {  	(v2sf) =	vpush v1, $0xF;
	v1, _, _ =	vpop (xrf0)  }
0x7c: {  	(v2sf) =	vpush v1, $0xF;
	_ =	sdelay $0xd  }
0x7d: {  	s13 =	spop (v2sf)  }
0x7e: {  	s16 =	spop (v2sf)  }
0x7f: {  	s14 =	sxor.u32 $0x7FFFFFFF, s11;
	p0 =	sgt.s32 s13, $0x1FF;
	p1 =	slt.s32 s16, $0x200  }
0x80: {  	p2 =	slt.s32 s12, $0x0;
	s15 =	sxor.u32 $0x7FFFFFFF, s12;
	p0 =	por !p0, !p1  }
0x81: {  	s12 =	smov.u32 @p2 s15;
	p1 =	slt.s32 s11, $0x0;
	p0 =	por !p0, !p0  }
0x82: {  	s11 =	smov.u32 @p1 s14;
	s12 =	simm.s32 @!p0 $0x7F800000;
	s13 =	simm.s32 @!p0 $0x8000  }
0x83: {  	s11 =	simm.s32 @!p0 $0x807FFFFF;
	p1 =	slt.s32 s13, $0x201;
	s18 =	sadd.s32 $0xFFFFFFFF, s12  }
0x84: {  	p2 =	sle.s32 @!p1 s18, s11  }
0x85: {  	p2 =	por p1, p2  }
.Ltmp3:
0x86: {  	_ = 	snop;
	(pc) =	sbr.rel @p2 .LBB2_8-.Ltmp3, $1  }
0x87: {  	_ =	sdelay $0x3  }
0x88: {  	s16 =	simm.s32 @!p0 $0x0;
	s14 =	simm.s32 $0x0  }
.LBB2_10:
0x89: {  	s15 =	ssub.s32 s13, s16  }
0x8a: {  	s15 =	scvt.s32.f32 s15;
	_ =	sdelay $0x1  }
0x8b: {  	s15 =	smax.f32 s15, $1.000000000e+00  }
0x8c: {  	s17 =	ssub.s32 $0x7EF311C3, s15  }
0x8d: {  	s19 =	smul.f32 s17, s15;
	_ =	sdelay $0x1  }
0x8e: {  	s19 =	ssub.f32 $2.000000000e+00, s19;
	_ =	sdelay $0x1  }
0x8f: {  	s17 =	smul.f32 s17, s19;
	_ =	sdelay $0x1  }
0x90: {  	s19 =	smul.f32 s17, s15;
	_ =	sdelay $0x1  }
0x91: {  	s19 =	ssub.f32 $2.000000000e+00, s19;
	_ =	sdelay $0x1  }
0x92: {  	s17 =	smul.f32 s19, s17;
	_ =	sdelay $0x1  }
0x93: {  	s15 =	smul.f32 s17, s15;
	_ =	sdelay $0x1  }
0x94: {  	s15 =	ssub.f32 $2.000000000e+00, s15  }
0x95: {  	s26 =	sadd.s32 $0xFFFFFE00, s13  }
0x96: {  	s28 =	scvt.s32.f32 s26;
	s15 =	smul.f32 s15, s17  }
0x97: {  	s29 =	ssub.s32 s12, s11  }
0x98: {  	s30 =	scvt.s32.f32 s29;
	s15 =	smul.f32 s28, s15  }
0x99: {  	_ = 	snop  }
0x9a: {  	s15 =	smul.f32 s30, s15;
	_ =	sdelay $0x1  }
0x9b: {  	s15 =	scvt.f32.s32 s15;
	_ =	sdelay $0x1  }
0x9c: {  	s17 =	sadd.s32 $0x1, s11;
	s15 =	sadd.s32 s15, s11  }
0x9d: {  	p0 =	sgt.s32 s17, s15  }
0x9e: {  	s15 =	smov.u32 @p0 s17  }
0x9f: {  	s31 =	simm.s32 $0x0;
	p0 =	slt.s32 s18, s15  }
0xa0: {  	v2 =	vld [tilespmem:s31+$0x70];
	s15 =	smov.u32 @p0 s18  }
0xa1: {  	v3 =	vld [tilespmem:s31+$0x0];
	p0 =	slt.s32 s15, $0x0;
	s17 =	sxor.u32 $0x7FFFFFFF, s15;
	s18 =	smov.u32 s15  }
0xa2: {  	s18 =	smov.u32 @p0 s17  }
0xa3: {  	v4 =	vld [tilespmem:s31+$0x10];
	v1 =	vmov s18  }
0xa4: {  	v6 =	vimm.s32 $0x0;
	v12 =	vld [tilespmem:s31+$0x20];
	v1 =	vbroadcast v1, $0x0  }
0xa5: {  	v9 =	vimm.s32 $0x0;
	v8 =	vimm.s32 $0x0;
	v5 =	vimm.s32 $0x0;
	v10 =	vld [tilespmem:s31+$0x30]  }
0xa6: {  	v7 =	vimm.s32 $0x0;
	v13 =	vld [tilespmem:s31+$0x40];
	vm0 =	vge.f32 v2, v1;
	vm1 =	vge.f32 v3, v1  }
0xa7: {  	v11 =	vld [tilespmem:s31+$0x50];
	v3 =	vimm.s32 $0x0;
	v2 =	vsel vm0, $0x1, v0;
	v15 =	vsel vm1, $0x1, v0  }
0xa8: {  	v14 =	vld [tilespmem:s31+$0x60];
	s17 =	simm.s32 $0x80;
	s18 =	simm.s32 $0x400;
	vm0 =	vge.f32 v4, v1;
	v4 =	vimm.s32 $0x0;
	v2 =	vadd.s32 v2, v6  }
.LBB2_11:
0xa9: {  	p0 =	sne.s32 s18, $0x1FE00;
	v16 =	vld [tilespmem:s17+$0x70];
	v6 =	vadd.s32 v15, v6;
	v15 =	vsel vm0, $0x1, v0;
	vm0 =	vge.f32 v12, v1  }
0xaa: {  	v17 =	vld [tilespmem:s17+$0x0];
	v9 =	vadd.s32 v15, v9;
	v12 =	vsel vm0, $0x1, v0;
	vm0 =	vge.f32 v10, v1  }
0xab: {  	v18 =	vld [tilespmem:s17+$0x10];
	v8 =	vadd.s32 v12, v8;
	v10 =	vsel vm0, $0x1, v0;
	vm0 =	vge.f32 v13, v1  }
.Ltmp4:
0xac: {  	v12 =	vld [tilespmem:s17+$0x20];
	v5 =	vadd.s32 v10, v5;
	v13 =	vsel vm0, $0x1, v0;
	vm0 =	vge.f32 v11, v1;
	(pc) =	sbr.rel @p0 .LBB2_11-.Ltmp4, $4  }
0xad: {  	v10 =	vld [tilespmem:s17+$0x30];
	v7 =	vadd.s32 v13, v7;
	v11 =	vsel vm0, $0x1, v0;
	vm0 =	vge.f32 v14, v1  }
0xae: {  	v13 =	vld [tilespmem:s17+$0x40];
	vm1 =	vge.f32 v16, v1;
	v4 =	vadd.s32 v11, v4;
	v14 =	vsel vm0, $0x1, v0  }
0xaf: {  	vm0 =	vge.f32 v17, v1;
	v11 =	vld [tilespmem:s17+$0x50];
	v16 =	vsel vm1, $0x1, v0;
	v3 =	vadd.s32 v14, v3  }
0xb0: {  	v15 =	vsel vm0, $0x1, v0;
	vm0 =	vge.f32 v18, v1;
	v14 =	vld [tilespmem:s17+$0x60];
	s17 =	sshra.s32 s18, $0x2;
	s18 =	sadd.s32 $0x200, s18;
	v2 =	vadd.s32 v16, v2  }
0xb1: {  	v16 =	vld [tilespmem:s17+$0x70];
	v17 =	vsel vm0, $0x1, v0  }
0xb2: {  	v6 =	vadd.s32 v15, v6;
	vm0 =	vge.f32 v12, v1;
	v12 =	vld [tilespmem:s17+$0x0];
	v9 =	vadd.s32 v17, v9  }
0xb3: {  	v15 =	vsel vm0, $0x1, v0;
	vm0 =	vge.f32 v10, v1;
	v10 =	vld [tilespmem:s17+$0x10];
	vm1 =	vge.f32 v13, v1  }
0xb4: {  	v8 =	vadd.s32 v15, v8;
	v13 =	vsel vm0, $0x1, v0;
	v15 =	vld [tilespmem:s17+$0x20];
	v17 =	vsel vm1, $0x1, v0  }
0xb5: {  	v5 =	vadd.s32 v13, v5;
	vm0 =	vge.f32 v11, v1;
	v11 =	vld [tilespmem:s17+$0x30];
	v7 =	vadd.s32 v17, v7  }
0xb6: {  	v13 =	vsel vm0, $0x1, v0;
	vm0 =	vge.f32 v14, v1;
	v14 =	vld [tilespmem:s17+$0x40];
	vm1 =	vge.f32 v16, v1  }
0xb7: {  	v4 =	vadd.s32 v13, v4;
	v13 =	vsel vm0, $0x1, v0;
	vm0 =	vge.f32 v12, v1  }
0xb8: {  	v12 =	vld [tilespmem:s17+$0x50];
	v3 =	vadd.s32 v13, v3;
	v13 =	vsel vm0, $0x1, v0;
	vm0 =	vge.f32 v10, v1  }
0xb9: {  	v10 =	vld [tilespmem:s17+$0x60];
	v6 =	vadd.s32 v13, v6;
	v13 =	vsel vm0, $0x1, v0;
	vm0 =	vge.f32 v15, v1  }
0xba: {  	v9 =	vadd.s32 v13, v9;
	v13 =	vsel vm0, $0x1, v0;
	vm0 =	vge.f32 v11, v1  }
0xbb: {  	v8 =	vadd.s32 v13, v8;
	v11 =	vsel vm0, $0x1, v0;
	vm0 =	vge.f32 v14, v1  }
0xbc: {  	v6 =	vadd.s32 v6, v9;
	v5 =	vadd.s32 v11, v5;
	v11 =	vsel vm0, $0x1, v0  }
0xbd: {  	vm0 =	vge.f32 v12, v1;
	v6 =	vadd.s32 v8, v6;
	v7 =	vadd.s32 v11, v7  }
0xbe: {  	v8 =	vsel vm0, $0x1, v0;
	vm0 =	vge.f32 v10, v1;
	v1 =	vadd.s32 v5, v6  }
0xbf: {  	v4 =	vadd.s32 v8, v4;
	v5 =	vsel vm0, $0x1, v0;
	v1 =	vadd.s32 v7, v1  }
0xc0: {  	v6 =	vsel vm1, $0x1, v0;
	v3 =	vadd.s32 v5, v3;
	v1 =	vadd.s32 v4, v1  }
0xc1: {  	v2 =	vadd.s32 v6, v2;
	v1 =	vadd.s32 v3, v1  }
0xc2: {  	v1 =	vadd.s32 v2, v1  }
0xc3: {  	(xrf0) =	vadd.scan.msk.s32 $0xffff, v1;
	_ =	sdelay $0x5  }
0xc4: {  	v1, _, _ =	vpop (xrf0)  }
0xc5: {  	(v2sf) =	vpush v1, $0xF;
	_ =	sdelay $0xe  }
0xc6: {  	s17 =	spop (v2sf)  }
0xc7: {  	p0 =	sgt.s32 s17, $0x1FF  }
0xc8: {  	s13 =	smov.u32 @p0 s17;
	s17 =	smov.u32 @p0 s16  }
0xc9: {  	s16 =	ssub.s32 s13, s17  }
0xca: {  	s16 =	scvt.s32.f32 s16;
	_ =	sdelay $0x1  }
0xcb: {  	s16 =	smax.f32 s16, $1.000000000e+00  }
0xcc: {  	s18 =	ssub.s32 $0x7EF311C3, s16  }
0xcd: {  	s19 =	smul.f32 s18, s16;
	_ =	sdelay $0x1  }
0xce: {  	s19 =	ssub.f32 $2.000000000e+00, s19;
	_ =	sdelay $0x1  }
0xcf: {  	s18 =	smul.f32 s18, s19;
	_ =	sdelay $0x1  }
0xd0: {  	s19 =	smul.f32 s18, s16;
	_ =	sdelay $0x1  }
0xd1: {  	s19 =	ssub.f32 $2.000000000e+00, s19;
	_ =	sdelay $0x1  }
0xd2: {  	s18 =	smul.f32 s19, s18;
	_ =	sdelay $0x1  }
0xd3: {  	s16 =	smul.f32 s18, s16;
	_ =	sdelay $0x1  }
0xd4: {  	s16 =	ssub.f32 $2.000000000e+00, s16  }
0xd5: {  	s11 =	smov.u32 @p0 s15;
	s24 =	sadd.s32 $0xFFFFFE00, s13  }
0xd6: {  	s15 =	smov.u32 @p0 s12;
	s12 =	scvt.s32.f32 s24;
	s16 =	smul.f32 s16, s18  }
0xd7: {  	s25 =	ssub.s32 s15, s11  }
0xd8: {  	s26 =	scvt.s32.f32 s25;
	s12 =	smul.f32 s12, s16  }
0xd9: {  	_ = 	snop  }
0xda: {  	s12 =	smul.f32 s26, s12;
	_ =	sdelay $0x1  }
0xdb: {  	s28 =	sxor.u32 s11, s15;
	s12 =	scvt.f32.s32 s12  }
0xdc: {  	s30 =	sand.u32 $0x1, s14;
	s29 =	sand.u32 s11, s15;
	s16 =	sshra.s32 s28, $0x1  }
0xdd: {  	p0 =	seq.s32 s30, $0x1;
	s16 =	sadd.s32 s16, s29;
	s12 =	sadd.s32 s12, s11  }
0xde: {  	s12 =	smov.u32 @p0 s16;
	s16 =	sadd.s32 $0x1, s11  }
0xdf: {  	p0 =	sgt.s32 s16, s12  }
0xe0: {  	s18 =	sadd.s32 $0xFFFFFFFF, s15;
	s12 =	smov.u32 @p0 s16  }
0xe1: {  	s31 =	simm.s32 $0x0;
	p0 =	slt.s32 s18, s12  }
0xe2: {  	v3 =	vld [tilespmem:s31+$0x0];
	s12 =	smov.u32 @p0 s18  }
0xe3: {  	v2 =	vld [tilespmem:s31+$0x70];
	p0 =	slt.s32 s12, $0x0;
	s16 =	sxor.u32 $0x7FFFFFFF, s12;
	s18 =	smov.u32 s12  }
0xe4: {  	s18 =	smov.u32 @p0 s16  }
0xe5: {  	v4 =	vld [tilespmem:s31+$0x10];
	v1 =	vmov s18  }
0xe6: {  	v9 =	vimm.s32 $0x0;
	v12 =	vld [tilespmem:s31+$0x20];
	v1 =	vbroadcast v1, $0x0  }
0xe7: {  	v10 =	vld [tilespmem:s31+$0x30];
	v6 =	vimm.s32 $0x0;
	v8 =	vimm.s32 $0x0;
	v7 =	vimm.s32 $0x0  }
0xe8: {  	v13 =	vld [tilespmem:s31+$0x40];
	v5 =	vimm.s32 $0x0;
	vm0 =	vge.f32 v2, v1;
	vm1 =	vge.f32 v3, v1  }
0xe9: {  	v11 =	vld [tilespmem:s31+$0x50];
	v3 =	vimm.s32 $0x0;
	v2 =	vsel vm0, $0x1, v0;
	v15 =	vsel vm1, $0x1, v0  }
0xea: {  	v14 =	vld [tilespmem:s31+$0x60];
	s16 =	simm.s32 $0x80;
	s18 =	simm.s32 $0x400;
	vm0 =	vge.f32 v4, v1;
	v4 =	vimm.s32 $0x0;
	v2 =	vadd.s32 v2, v6  }
.LBB2_13:
0xeb: {  	p0 =	sne.s32 s18, $0x1FE00;
	v16 =	vld [tilespmem:s16+$0x70];
	v6 =	vadd.s32 v15, v6;
	v15 =	vsel vm0, $0x1, v0;
	vm0 =	vge.f32 v12, v1  }
0xec: {  	v17 =	vld [tilespmem:s16+$0x0];
	v9 =	vadd.s32 v15, v9;
	v12 =	vsel vm0, $0x1, v0;
	vm0 =	vge.f32 v10, v1  }
0xed: {  	v18 =	vld [tilespmem:s16+$0x10];
	v8 =	vadd.s32 v12, v8;
	v10 =	vsel vm0, $0x1, v0;
	vm0 =	vge.f32 v13, v1  }
.Ltmp5:
0xee: {  	v12 =	vld [tilespmem:s16+$0x20];
	v5 =	vadd.s32 v10, v5;
	v13 =	vsel vm0, $0x1, v0;
	vm0 =	vge.f32 v11, v1;
	(pc) =	sbr.rel @p0 .LBB2_13-.Ltmp5, $4  }
0xef: {  	v10 =	vld [tilespmem:s16+$0x30];
	v7 =	vadd.s32 v13, v7;
	v11 =	vsel vm0, $0x1, v0;
	vm0 =	vge.f32 v14, v1  }
0xf0: {  	v13 =	vld [tilespmem:s16+$0x40];
	vm1 =	vge.f32 v16, v1;
	v4 =	vadd.s32 v11, v4;
	v14 =	vsel vm0, $0x1, v0  }
0xf1: {  	vm0 =	vge.f32 v17, v1;
	v11 =	vld [tilespmem:s16+$0x50];
	v16 =	vsel vm1, $0x1, v0;
	v3 =	vadd.s32 v14, v3  }
0xf2: {  	v15 =	vsel vm0, $0x1, v0;
	vm0 =	vge.f32 v18, v1;
	v14 =	vld [tilespmem:s16+$0x60];
	s16 =	sshra.s32 s18, $0x2;
	s18 =	sadd.s32 $0x200, s18;
	v2 =	vadd.s32 v16, v2  }
0xf3: {  	v16 =	vld [tilespmem:s16+$0x70]  }
0xf4: {  	v45 =	vld [tilespmem:s16+$0x0]  }
0xf5: {  	v47 =	vld [tilespmem:s16+$0x10]  }
0xf6: {  	v49 =	vld [tilespmem:s16+$0x20]  }
0xf7: {  	v17 =	vsel vm0, $0x1, v0;
	v51 =	vld [tilespmem:s16+$0x30]  }
0xf8: {  	v6 =	vadd.s32 v15, v6;
	vm4 =	vge.f32 v12, v1;
	v53 =	vld [tilespmem:s16+$0x40];
	v9 =	vadd.s32 v17, v9  }
0xf9: {  	v55 =	vld [tilespmem:s16+$0x50];
	v46 =	vsel vm4, $0x1, v0;
	vm5 =	vge.f32 v10, v1;
	vm1 =	vge.f32 v13, v1  }
0xfa: {  	v57 =	vld [tilespmem:s16+$0x60];
	v8 =	vadd.s32 v46, v8;
	v48 =	vsel vm5, $0x1, v0;
	v50 =	vsel vm1, $0x1, v0  }
0xfb: {  	v5 =	vadd.s32 v48, v5;
	vm6 =	vge.f32 v11, v1;
	v7 =	vadd.s32 v50, v7  }
0xfc: {  	v52 =	vsel vm6, $0x1, v0;
	vm7 =	vge.f32 v14, v1;
	vm8 =	vge.f32 v16, v1  }
0xfd: {  	v4 =	vadd.s32 v52, v4;
	v54 =	vsel vm7, $0x1, v0;
	vm9 =	vge.f32 v45, v1  }
0xfe: {  	vm10 =	vge.f32 v47, v1;
	vm11 =	vge.f32 v49, v1;
	vm12 =	vge.f32 v51, v1  }
0xff: {  	vm13 =	vge.f32 v53, v1;
	vm14 =	vge.f32 v55, v1;
	vm15 =	vge.f32 v57, v1  }
0x100: {  	v3 =	vadd.s32 v54, v3;
	v56 =	vsel vm9, $0x1, v0;
	v58 =	vsel vm10, $0x1, v0  }
0x101: {  	v59 =	vsel vm11, $0x1, v0;
	v6 =	vadd.s32 v56, v6;
	v9 =	vadd.s32 v58, v9  }
0x102: {  	v11 =	vsel vm12, $0x1, v0;
	v8 =	vadd.s32 v59, v8;
	v6 =	vadd.s32 v6, v9  }
0x103: {  	v60 =	vsel vm13, $0x1, v0;
	v5 =	vadd.s32 v11, v5;
	v6 =	vadd.s32 v8, v6  }
0x104: {  	v61 =	vsel vm14, $0x1, v0;
	v7 =	vadd.s32 v60, v7;
	v1 =	vadd.s32 v5, v6  }
0x105: {  	v62 =	vsel vm15, $0x1, v0;
	v4 =	vadd.s32 v61, v4;
	v1 =	vadd.s32 v7, v1  }
0x106: {  	v63 =	vsel vm8, $0x1, v0;
	v3 =	vadd.s32 v62, v3;
	v1 =	vadd.s32 v4, v1  }
0x107: {  	v2 =	vadd.s32 v63, v2;
	v1 =	vadd.s32 v3, v1  }
0x108: {  	v1 =	vadd.s32 v2, v1  }
0x109: {  	(xrf0) =	vadd.scan.msk.s32 $0xffff, v1;
	_ =	sdelay $0x5  }
0x10a: {  	v1, _, _ =	vpop (xrf0)  }
0x10b: {  	(v2sf) =	vpush v1, $0xF;
	_ =	sdelay $0xe  }
0x10c: {  	s16 =	spop (v2sf)  }
0x10d: {  	p1 =	sgt.s32 s16, $0x1FF  }
0x10e: {  	s11 =	smov.u32 @p1 s12;
	s12 =	smov.u32 @p1 s15;
	s13 =	smov.u32 @p1 s16  }
0x10f: {  	p0 =	slt.s32 s13, $0x201;
	s18 =	sadd.s32 $0xFFFFFFFF, s12  }
0x110: {  	p2 =	sgt.s32 @!p0 s18, s11  }
0x111: {  	p2 =	por p0, !p2  }
.Ltmp6:
0x112: {  	_ = 	snop;
	(pc) =	sbr.rel @!p2 .LBB2_10-.Ltmp6, $2  }
0x113: {  	_ =	sdelay $0x2  }
0x114: {  	s14 =	sadd.s32 $0x1, s14;
	s16 =	smov.u32 @p1 s17  }
.Ltmp7:
0x115: {  	(pc) =	sbr.rel .LBB2_16-.Ltmp7, $2  }
0x116: {  	_ =	sdelay $0x2  }
0x117: {  	s11 =	smov.u32 @p0 s11  }
.LBB2_8:
0x118: {  	s11 =	smov.u32 @p1 s11  }
.LBB2_16:
0x119: {  	s12 =	simm.s32 $0x0  }
0x11a: {  	p0 =	sgt.s32 s11, $0x1;
	v4 =	vld [tilespmem:s12+$0x70]  }
0x11b: {  	v8 =	vld [tilespmem:s12+$0x0];
	s11 =	simm.s32 @!p0 $0x1  }
0x11c: {  	v7 =	vld [tilespmem:s12+$0x10];
	v1 =	vmov s11  }
0x11d: {  	v6 =	vld [tilespmem:s12+$0x20];
	v1 =	vbroadcast v1, $0x0  }
0x11e: {  	v5 =	vld [tilespmem:s12+$0x30]  }
0x11f: {  	v3 =	vld [tilespmem:s12+$0x40];
	vm0 =	vge.f32 v4, v1  }
0x120: {  	v2 =	vld [tilespmem:s12+$0x50];
	vm1 =	vge.f32 v8, v1;
	v9 =	vnsel vm0, $0x0, v4  }
0x121: {  	s13 =	simm.s32 $0x400;
	s11 =	simm.s32 $0x80;
	v4 =	vld [tilespmem:s12+$0x60];
	v8 =	vnsel vm1, $0x0, v8;
	vm0 =	vge.f32 v7, v1;
	[tilespmem:s12+$0x8070] =	vst v9  }
.LBB2_17:
0x122: {  	p0 =	sne.s32 s13, $0x1FE00;
	v9 =	vld [tilespmem:s11+$0x70];
	[tilespmem:s12+$0x8000] =	vst v8;
	v7 =	vnsel vm0, $0x0, v7;
	vm0 =	vge.f32 v6, v1  }
0x123: {  	v8 =	vld [tilespmem:s11+$0x0];
	[tilespmem:s12+$0x8010] =	vst v7;
	v6 =	vnsel vm0, $0x0, v6;
	vm0 =	vge.f32 v5, v1  }
0x124: {  	v7 =	vld [tilespmem:s11+$0x10];
	[tilespmem:s12+$0x8020] =	vst v6;
	v5 =	vnsel vm0, $0x0, v5;
	vm0 =	vge.f32 v3, v1  }
.Ltmp8:
0x125: {  	v6 =	vld [tilespmem:s11+$0x20];
	[tilespmem:s12+$0x8030] =	vst v5;
	v3 =	vnsel vm0, $0x0, v3;
	vm0 =	vge.f32 v2, v1;
	(pc) =	sbr.rel @p0 .LBB2_17-.Ltmp8, $4  }
0x126: {  	v5 =	vld [tilespmem:s11+$0x30];
	[tilespmem:s12+$0x8040] =	vst v3;
	v2 =	vnsel vm0, $0x0, v2;
	vm0 =	vge.f32 v4, v1  }
0x127: {  	v3 =	vld [tilespmem:s11+$0x40];
	vm1 =	vge.f32 v9, v1;
	[tilespmem:s12+$0x8050] =	vst v2;
	v4 =	vnsel vm0, $0x0, v4  }
0x128: {  	vm0 =	vge.f32 v8, v1;
	v2 =	vld [tilespmem:s11+$0x50];
	v9 =	vnsel vm1, $0x0, v9;
	[tilespmem:s12+$0x8060] =	vst v4;
	s12 =	smov.u32 s11  }
0x129: {  	s11 =	sshra.s32 s13, $0x2;
	s13 =	sadd.s32 $0x200, s13;
	v8 =	vnsel vm0, $0x0, v8;
	vm0 =	vge.f32 v7, v1;
	v4 =	vld [tilespmem:s12+$0x60];
	[tilespmem:s12+$0x8070] =	vst v9  }
0x12a: {  	v9 =	vld [tilespmem:s11+$0x70];
	[tilespmem:s12+$0x8000] =	vst v8;
	v7 =	vnsel vm0, $0x0, v7;
	vm4 =	vge.f32 v6, v1  }
0x12b: {  	v8 =	vld [tilespmem:s11+$0x0];
	[tilespmem:s12+$0x8010] =	vst v7;
	v6 =	vnsel vm4, $0x0, v6;
	vm5 =	vge.f32 v5, v1  }
0x12c: {  	v7 =	vld [tilespmem:s11+$0x10];
	[tilespmem:s12+$0x8020] =	vst v6;
	v5 =	vnsel vm5, $0x0, v5;
	vm6 =	vge.f32 v3, v1  }
0x12d: {  	v6 =	vld [tilespmem:s11+$0x20];
	[tilespmem:s12+$0x8030] =	vst v5;
	v3 =	vnsel vm6, $0x0, v3;
	vm7 =	vge.f32 v2, v1  }
0x12e: {  	v5 =	vld [tilespmem:s11+$0x30];
	[tilespmem:s12+$0x8040] =	vst v3;
	v2 =	vnsel vm7, $0x0, v2;
	vm8 =	vge.f32 v4, v1  }
0x12f: {  	v3 =	vld [tilespmem:s11+$0x40];
	[tilespmem:s12+$0x8050] =	vst v2;
	v2 =	vnsel vm8, $0x0, v4;
	vm9 =	vge.f32 v9, v1  }
0x130: {  	v62 =	vld [tilespmem:s11+$0x50];
	[tilespmem:s12+$0x8060] =	vst v2;
	vm1 =	vge.f32 v8, v1;
	v2 =	vnsel vm9, $0x0, v9  }
0x131: {  	v63 =	vld [tilespmem:s11+$0x60];
	v8 =	vnsel vm1, $0x0, v8;
	vm10 =	vge.f32 v7, v1;
	[tilespmem:s11+$0x8070] =	vst v2  }
0x132: {  	[tilespmem:s11+$0x8000] =	vst v8;
	v2 =	vnsel vm10, $0x0, v7;
	vm11 =	vge.f32 v6, v1  }
0x133: {  	[tilespmem:s11+$0x8010] =	vst v2;
	v2 =	vnsel vm11, $0x0, v6;
	vm12 =	vge.f32 v5, v1  }
0x134: {  	[tilespmem:s11+$0x8020] =	vst v2;
	v2 =	vnsel vm12, $0x0, v5;
	vm13 =	vge.f32 v3, v1  }
0x135: {  	[tilespmem:s11+$0x8030] =	vst v2;
	v2 =	vnsel vm13, $0x0, v3;
	vm14 =	vge.f32 v62, v1  }
0x136: {  	s10 =	sadd.s32 $0x1, s10;
	[tilespmem:s11+$0x8040] =	vst v2;
	v2 =	vnsel vm14, $0x0, v62;
	vm15 =	vge.f32 v63, v1  }
0x137: {  	p0 =	sne.s32 s10, s5;
	[tilespmem:s11+$0x8050] =	vst v2;
	v1 =	vnsel vm15, $0x0, v63  }
.Ltmp9:
0x138: {  	[tilespmem:s11+$0x8060] =	vst v1;
	(pc) =	sbr.rel @p0 .LBB2_1-.Ltmp9, $4  }
0x139: {  	[hbm4b:s4+s6] =	stream.strided.scatter [tilespmem:s9], [sflag:$0x1], $0x8000, s7, s6, $0x38;
	[tilespmem:$0x10000] =	vst v63  }
0x13a: {  	_ =	swait.ge [sflag:s8], $0x8000  }
0x13b: {  	[sflag:s8] =	ssyncset.done $0x0  }
0x13c: {  	[sflag:s8] =	ssyncadd.s32 $0xFFFF8000  }
0x13d: {  	_ =	sfence.sel $0x180000  }
0x13e: {  	[bflag:$0x0] =	sbarrier.arrive $0xFFFF  }
0x13f: {  	p0 =	sne.s32 s1, $0x0;
	_ =	strace $0x90000047  }
0x140: {  	s0 =	sadd.s32 @!p0 $0x100000, s0;
	[bflag:$0x2] =	sbarrier.arrive $0xFFFF  }
0x141: {  	[sflag:s0] =	ssyncadd.tile.s32 @!p0 $0x1;
	_ =	shalt  }
.Lfunc_end2:
_tile_overlayer_lowered:
.L_overlay_start_2:
0x142: {  	(tag) =	ssettag $0x2  }
0x143: {  	s0 =	rddreg [dreg:$0x0];
	s2 =	stileid.u32  }
0x144: {  	s1 =	rddreg [dreg:$0x1];
	p0 =	sne.s32 s2, $0x0  }
0x145: {  	s3 =	rddreg [dreg:$0x2];
	[bflag:$0x3] =	sbarrier.arrive $0xFFFF;
	s2 =	simm.s32 @!p0 $0x1C01  }
0x146: {  	[timem:s3], [sflag:s2] =	dma.local @!p0 [hbm:s0], s1  }
0x147: {  	s0 =	simm.s32 @!p0 $0x1  }
0x148: {  	_ =	swait.ge @!p0 [sflag:s0], s1  }
0x149: {  	s1 =	ssub.s32 @!p0 $0x0, s1;
	[sflag:s0] =	ssyncset.done @!p0 $0x0  }
0x14a: {  	[sflag:s0] =	ssyncadd.s32 @!p0 s1  }
0x14b: {  	[bflag:$0x3] =	sbarrier.arrive $0xFFFF  }
0x14c: {  	_ =	shalt  }

</sc_bundles>
